<compile_context>
chip_gen: v7x
topology: tpu7x:2x2x1
jax: 0.10.2.dev20260603
libtpu: 0.0.44.dev20260713+nightly
codegen_flags: <defaults>
</compile_context>

<pallas_src>
import functools

import jax
import jax.numpy as jnp
from jax import lax
from jax.experimental import pallas as pl
from jax.experimental.pallas import tpu as pltpu
from jax.experimental.pallas import tpu_sc as plsc

NC, NS, LANES = 2, 16, 16
NW = NC * NS
NSLOT = 5
CH = 128


def _make_sc_lookup(R, V, D):
    assert R % (NW * CH) == 0
    RPW = R // NW
    NCH = RPW // CH
    assert NCH % NSLOT == 0 and NCH // NSLOT >= 2
    NSTAGE = 5
    assert V % NSTAGE == 0 and (V // NSTAGE) % 8 == 0
    VS = V // NSTAGE

    mesh = plsc.VectorSubcoreMesh(core_axis_name="c", subcore_axis_name="s")

    @functools.partial(
        pl.kernel,
        out_type=jax.ShapeDtypeStruct((R, D), jnp.float32),
        mesh=mesh,
        scratch_types=[
            pltpu.VMEM((NCH, CH), jnp.int32),
            pltpu.VMEM((NCH, CH), jnp.int32),
            *[pltpu.VMEM((CH, D), jnp.float32) for _ in range(NSLOT)],
            pltpu.VMEM_SHARED((V, D), jnp.float32),
            pltpu.VMEM_SHARED((V, D), jnp.float32),
            *[pltpu.SemaphoreType.DMA for _ in range(2 * NSLOT)],
        ],
    )
    def lookup(i01_hbm, w0z_hbm, w1z_hbm, out_hbm,
               i0_v, i1_v, *rest):
        bufs = rest[:NSLOT]
        t0_sh, t1_sh = rest[NSLOT], rest[NSLOT + 1]
        gsems = rest[NSLOT + 2:2 * NSLOT + 2]
        wsems = rest[2 * NSLOT + 2:]
        c = lax.axis_index("c")
        s = lax.axis_index("s")
        wid = c * NS + s

        @pl.when(s < NSTAGE)
        def _():
            pltpu.sync_copy(w0z_hbm.at[pl.ds(s * VS, VS)],
                            t0_sh.at[pl.ds(s * VS, VS)])

        @pl.when(jnp.logical_and(s >= NSTAGE, s < 2 * NSTAGE))
        def _():
            s2 = s - NSTAGE
            pltpu.sync_copy(w1z_hbm.at[pl.ds(s2 * VS, VS)],
                            t1_sh.at[pl.ds(s2 * VS, VS)])

        pltpu.sync_copy(i01_hbm.at[0, wid], i0_v)
        pltpu.sync_copy(i01_hbm.at[1, wid], i1_v)
        plsc.subcore_barrier()

        rbase = wid * RPW

        def startA(ci, b):
            src = w0z_hbm if b == NSLOT - 1 else t0_sh
            pltpu.async_copy(src.at[i0_v.at[ci]], bufs[b], gsems[b])

        def startB(ci, b):
            pltpu.async_copy(t1_sh.at[i1_v.at[ci]], bufs[b], gsems[b],
                             add=True)

        def startW(ci, b):
            pltpu.async_copy(bufs[b], out_hbm.at[pl.ds(rbase + ci * CH, CH)],
                             wsems[b])

        def waitG(b):
            pltpu.make_async_copy(t0_sh.at[i0_v.at[0]], bufs[b],
                                  gsems[b]).wait()

        def waitW(b):
            pltpu.make_async_copy(bufs[b], out_hbm.at[pl.ds(rbase, CH)],
                                  wsems[b]).wait()

        for b in range(NSLOT):
            startA(b, b)

        def group(g, _):
            for b in range(NSLOT):
                ci = g * NSLOT + b
                waitG(b)
                if b == NSLOT - 1:
                    @pl.when(g % 2 == 0)
                    def _():
                        pltpu.async_copy(w1z_hbm.at[i1_v.at[ci]], bufs[b],
                                         gsems[b], add=True)

                    @pl.when(g % 2 != 0)
                    def _():
                        startB(ci, b)
                else:
                    startB(ci, b)
            for b in range(NSLOT):
                ci = g * NSLOT + b
                waitG(b)
                startW(ci, b)
            for b in range(NSLOT):
                ci2 = (g + 1) * NSLOT + b
                @pl.when(ci2 < NCH)
                def _():
                    waitW(b)
                    startA(ci2, b)
            return 0

        lax.fori_loop(0, NCH // NSLOT, group, 0)
        for b in range(NSLOT):
            waitW(b)

    return lookup


def kernel(idx, W0, W1):
    B, L, NB = idx.shape
    V, E = W0.shape
    assert NB == 2 and W1.shape == (V, E)
    D = NB * E
    R = B * L
    idx32 = idx.astype(jnp.int32)
    i01 = idx32.transpose(2, 1, 0).reshape(2, NW, R // (NW * CH), CH)
    w0z = jnp.pad(W0, ((0, 0), (0, E)))
    w1z = jnp.pad(W1, ((0, 0), (E, 0)))
    out = _make_sc_lookup(R, V, D)(i01, w0z, w1z)
    return out.reshape(L, B, D).transpose(1, 0, 2)

# --- scband reference (transcript-rebuilt; emitter-appended) ---
"""Pipeline reference for scband-multi-axial-encoding-86371792323016 (READ-ONLY COPY).

The authoritative reference and input builder live on the scoring server;
editing this copy changes nothing except your own understanding.
"""

import jax, jax.numpy as jnp
import numpy as np

VOCAB_DIM = 1000000
EMB_DIM = 128
N_BLOCKS = 2
V = int(np.ceil(VOCAB_DIM ** (1.0 / N_BLOCKS)))  # 1000 rows per block table
E = int(np.ceil(EMB_DIM // N_BLOCKS))            # 64 dims per block table
BATCH = 4096
HIST = 50

def _trunc_normal(key, shape, std=0.01):
    # Faithful to trunc_normal_: normal().fmod_(2).mul_(std)
    x = jax.random.normal(key, shape, dtype=jnp.float32)
    x = jnp.fmod(x, 2.0) * std
    return x

def setup_inputs(seed: int = 0) -> dict:
    key = jax.random.key(seed)
    k_idx, k_w0, k_w1 = jax.random.split(key, 3)
    idx = jax.random.randint(k_idx, (BATCH, HIST, N_BLOCKS), 0, V, dtype=jnp.int64)
    W0 = _trunc_normal(k_w0, (V, E))
    W1 = _trunc_normal(k_w1, (V, E))
    return {"idx": idx, "W0": W0, "W1": W1}

def reference(idx, W0, W1):
    # pre_hashed=True -> process_fn is identity
    # torch.chunk(xhash, xhash.shape[0], -1) on last dim of size n_blocks=2
    # yields exactly n_blocks chunks of size 1 each, which are squeezed.
    idx0 = idx[..., 0]  # [B, L]
    idx1 = idx[..., 1]  # [B, L]
    out0 = jnp.take(W0, idx0, axis=0)  # [B, L, E]
    out1 = jnp.take(W1, idx1, axis=0)  # [B, L, E]
    return jnp.concatenate([out0, out1], axis=-1)  # [B, L, 2*E]

if __name__ == "__main__":
    import jax
    _d = setup_inputs()
    print(jax.jit(kernel)(*tuple(_d.values())))

</pallas_src>

<mosaic_0001>
#map = affine_map<(d0, d1) -> (0, 0, 0, 0)>
#map1 = affine_map<(d0, d1) -> (0, 0)>
module attributes {stable_mosaic.version = 14 : i64} {
  func.func @lookup(%arg0: i32, %arg1: i32, %arg2: memref<2x32x50x128xi32, #tpu.memory_space<hbm>>, %arg3: memref<1000x128xf32, #tpu.memory_space<hbm>>, %arg4: memref<1000x128xf32, #tpu.memory_space<hbm>>, %arg5: memref<204800x128xf32, #tpu.memory_space<hbm>>, %arg6: memref<50x128xi32, #tpu.memory_space<vmem>>, %arg7: memref<50x128xi32, #tpu.memory_space<vmem>>, %arg8: memref<128x128xf32, #tpu.memory_space<vmem>>, %arg9: memref<128x128xf32, #tpu.memory_space<vmem>>, %arg10: memref<128x128xf32, #tpu.memory_space<vmem>>, %arg11: memref<128x128xf32, #tpu.memory_space<vmem>>, %arg12: memref<128x128xf32, #tpu.memory_space<vmem>>, %arg13: memref<1000x128xf32, #tpu.memory_space<vmem_shared>>, %arg14: memref<1000x128xf32, #tpu.memory_space<vmem_shared>>, %arg15: memref<!tpu.dma_semaphore, #tpu.memory_space<semaphore_mem>>, %arg16: memref<!tpu.dma_semaphore, #tpu.memory_space<semaphore_mem>>, %arg17: memref<!tpu.dma_semaphore, #tpu.memory_space<semaphore_mem>>, %arg18: memref<!tpu.dma_semaphore, #tpu.memory_space<semaphore_mem>>, %arg19: memref<!tpu.dma_semaphore, #tpu.memory_space<semaphore_mem>>, %arg20: memref<!tpu.dma_semaphore, #tpu.memory_space<semaphore_mem>>, %arg21: memref<!tpu.dma_semaphore, #tpu.memory_space<semaphore_mem>>, %arg22: memref<!tpu.dma_semaphore, #tpu.memory_space<semaphore_mem>>, %arg23: memref<!tpu.dma_semaphore, #tpu.memory_space<semaphore_mem>>, %arg24: memref<!tpu.dma_semaphore, #tpu.memory_space<semaphore_mem>>) attributes {dimension_semantics = [#tpu.dimension_semantics<core_parallel>, #tpu.dimension_semantics<subcore_parallel>], iteration_bounds = array<i64: 2, 16>, scalar_prefetch = 0 : i64, scratch_operands = 19 : i64, tpu.core_type = #tpu.core_type<sc_vector_subcore>, window_params = [{transform_indices = #map}, {transform_indices = #map1}, {transform_indices = #map1}, {transform_indices = #map1}]} {
    %mul3A = arith.constant 16 : i32
    %mul3A_0 = arith.muli %arg0, %mul3A : i32
    %add3A = arith.addi %mul3A_0, %arg1 : i32
    %lt3A = arith.constant 5 : i32
    %lt3A_1 = arith.cmpi slt, %arg1, %lt3A : i32
    %convert_element_type3A = arith.extui %lt3A_1 : i1 to i32
    %cond3A = arith.constant 0 : i32
    %cond3A_2 = arith.cmpi ne, %convert_element_type3A, %cond3A : i32
    scf.if %cond3A_2 {
      %mul3A_71 = arith.constant 200 : i32
      %mul3A_72 = arith.muli %arg1, %mul3A_71 : i32
      %mul3A_73 = arith.constant 200 : i32
      %mul3A_74 = arith.muli %arg1, %mul3A_73 : i32
      "tpu.region"() ({
        %run_scoped3A_75 = tpu.sem_alloc : memref<!tpu.dma_semaphore, #tpu.memory_space<semaphore_mem>>
        %dma_start3A_76 = arith.constant 0 : i32
        %dma_start3A_77 = tpu.memref_slice %arg13[%mul3A_74, %dma_start3A_76] : memref<1000x128xf32, #tpu.memory_space<vmem_shared>> -> memref<200x128xf32, #tpu.memory_space<vmem_shared>>
        %dma_start3A_78 = arith.constant 0 : i32
        %dma_start3A_79 = tpu.memref_slice %arg3[%mul3A_72, %dma_start3A_78] : memref<1000x128xf32, #tpu.memory_space<hbm>> -> memref<200x128xf32, #tpu.memory_space<hbm>>
        tpu.enqueue_dma source(%dma_start3A_79 : memref<200x128xf32, #tpu.memory_space<hbm>>) target(%dma_start3A_77 : memref<200x128xf32, #tpu.memory_space<vmem_shared>>) target_semaphore(%run_scoped3A_75 : memref<!tpu.dma_semaphore, #tpu.memory_space<semaphore_mem>>)
        %dma_wait3A_80 = arith.constant 0 : i32
        %dma_wait3A_81 = tpu.memref_slice %arg13[%mul3A_74, %dma_wait3A_80] : memref<1000x128xf32, #tpu.memory_space<vmem_shared>> -> memref<200x128xf32, #tpu.memory_space<vmem_shared>>
        %dma_wait3A_82 = arith.constant 0 : i32
        %dma_wait3A_83 = tpu.memref_slice %arg3[%mul3A_72, %dma_wait3A_82] : memref<1000x128xf32, #tpu.memory_space<hbm>> -> memref<200x128xf32, #tpu.memory_space<hbm>>
        tpu.wait_dma2 semaphore(%run_scoped3A_75 : memref<!tpu.dma_semaphore, #tpu.memory_space<semaphore_mem>>) src(%dma_wait3A_83 : memref<200x128xf32, #tpu.memory_space<hbm>>) dst(%dma_wait3A_81 : memref<200x128xf32, #tpu.memory_space<vmem_shared>>)
        tpu.yield
      }) : () -> ()
    } else {
    }
    %ge3A = arith.constant 5 : i32
    %ge3A_3 = arith.cmpi sge, %arg1, %ge3A : i32
    %lt3A_4 = arith.constant 10 : i32
    %lt3A_5 = arith.cmpi slt, %arg1, %lt3A_4 : i32
    %and3A = arith.andi %ge3A_3, %lt3A_5 : i1
    %convert_element_type3A_6 = arith.extui %and3A : i1 to i32
    %cond3A_7 = arith.constant 0 : i32
    %cond3A_8 = arith.cmpi ne, %convert_element_type3A_6, %cond3A_7 : i32
    scf.if %cond3A_8 {
      %sub3A = arith.constant 5 : i32
      %sub3A_71 = arith.subi %arg1, %sub3A : i32
      %mul3A_72 = arith.constant 200 : i32
      %mul3A_73 = arith.muli %sub3A_71, %mul3A_72 : i32
      %mul3A_74 = arith.constant 200 : i32
      %mul3A_75 = arith.muli %sub3A_71, %mul3A_74 : i32
      "tpu.region"() ({
        %run_scoped3A_76 = tpu.sem_alloc : memref<!tpu.dma_semaphore, #tpu.memory_space<semaphore_mem>>
        %dma_start3A_77 = arith.constant 0 : i32
        %dma_start3A_78 = tpu.memref_slice %arg14[%mul3A_75, %dma_start3A_77] : memref<1000x128xf32, #tpu.memory_space<vmem_shared>> -> memref<200x128xf32, #tpu.memory_space<vmem_shared>>
        %dma_start3A_79 = arith.constant 0 : i32
        %dma_start3A_80 = tpu.memref_slice %arg4[%mul3A_73, %dma_start3A_79] : memref<1000x128xf32, #tpu.memory_space<hbm>> -> memref<200x128xf32, #tpu.memory_space<hbm>>
        tpu.enqueue_dma source(%dma_start3A_80 : memref<200x128xf32, #tpu.memory_space<hbm>>) target(%dma_start3A_78 : memref<200x128xf32, #tpu.memory_space<vmem_shared>>) target_semaphore(%run_scoped3A_76 : memref<!tpu.dma_semaphore, #tpu.memory_space<semaphore_mem>>)
        %dma_wait3A_81 = arith.constant 0 : i32
        %dma_wait3A_82 = tpu.memref_slice %arg14[%mul3A_75, %dma_wait3A_81] : memref<1000x128xf32, #tpu.memory_space<vmem_shared>> -> memref<200x128xf32, #tpu.memory_space<vmem_shared>>
        %dma_wait3A_83 = arith.constant 0 : i32
        %dma_wait3A_84 = tpu.memref_slice %arg4[%mul3A_73, %dma_wait3A_83] : memref<1000x128xf32, #tpu.memory_space<hbm>> -> memref<200x128xf32, #tpu.memory_space<hbm>>
        tpu.wait_dma2 semaphore(%run_scoped3A_76 : memref<!tpu.dma_semaphore, #tpu.memory_space<semaphore_mem>>) src(%dma_wait3A_84 : memref<200x128xf32, #tpu.memory_space<hbm>>) dst(%dma_wait3A_82 : memref<200x128xf32, #tpu.memory_space<vmem_shared>>)
        tpu.yield
      }) : () -> ()
    } else {
    }
    %run_scoped3A = arith.constant 0 : i32
    "tpu.region"() ({
      %run_scoped3A_71 = tpu.sem_alloc : memref<!tpu.dma_semaphore, #tpu.memory_space<semaphore_mem>>
      %dma_start3A_72 = arith.constant 0 : i32
      %dma_start3A_73 = arith.constant 0 : i32
      %dma_start3A_74 = tpu.memref_slice %arg2[%run_scoped3A, %add3A, %dma_start3A_72, %dma_start3A_73] : memref<2x32x50x128xi32, #tpu.memory_space<hbm>> -> memref<1x1x50x128xi32, #tpu.memory_space<hbm>>
      %dma_start3A_75 = tpu.memref_squeeze %dma_start3A_74 : memref<1x1x50x128xi32, #tpu.memory_space<hbm>> -> memref<50x128xi32, #tpu.memory_space<hbm>>
      %dma_start3A_76 = arith.constant 0 : i32
      %dma_start3A_77 = arith.constant 0 : i32
      %dma_start3A_78 = tpu.memref_slice %arg2[%run_scoped3A, %add3A, %dma_start3A_76, %dma_start3A_77] : memref<2x32x50x128xi32, #tpu.memory_space<hbm>> -> memref<1x1x50x128xi32, #tpu.memory_space<hbm>>
      %dma_start3A_79 = tpu.memref_squeeze %dma_start3A_78 : memref<1x1x50x128xi32, #tpu.memory_space<hbm>> -> memref<50x128xi32, #tpu.memory_space<hbm>>
      tpu.enqueue_dma source(%dma_start3A_79 : memref<50x128xi32, #tpu.memory_space<hbm>>) target(%arg6 : memref<50x128xi32, #tpu.memory_space<vmem>>) target_semaphore(%run_scoped3A_71 : memref<!tpu.dma_semaphore, #tpu.memory_space<semaphore_mem>>)
      %dma_wait3A_80 = arith.constant 0 : i32
      %dma_wait3A_81 = arith.constant 0 : i32
      %dma_wait3A_82 = tpu.memref_slice %arg2[%run_scoped3A, %add3A, %dma_wait3A_80, %dma_wait3A_81] : memref<2x32x50x128xi32, #tpu.memory_space<hbm>> -> memref<1x1x50x128xi32, #tpu.memory_space<hbm>>
      %dma_wait3A_83 = tpu.memref_squeeze %dma_wait3A_82 : memref<1x1x50x128xi32, #tpu.memory_space<hbm>> -> memref<50x128xi32, #tpu.memory_space<hbm>>
      %dma_wait3A_84 = arith.constant 0 : i32
      %dma_wait3A_85 = arith.constant 0 : i32
      %dma_wait3A_86 = tpu.memref_slice %arg2[%run_scoped3A, %add3A, %dma_wait3A_84, %dma_wait3A_85] : memref<2x32x50x128xi32, #tpu.memory_space<hbm>> -> memref<1x1x50x128xi32, #tpu.memory_space<hbm>>
      %dma_wait3A_87 = tpu.memref_squeeze %dma_wait3A_86 : memref<1x1x50x128xi32, #tpu.memory_space<hbm>> -> memref<50x128xi32, #tpu.memory_space<hbm>>
      tpu.wait_dma2 semaphore(%run_scoped3A_71 : memref<!tpu.dma_semaphore, #tpu.memory_space<semaphore_mem>>) src(%dma_wait3A_87 : memref<50x128xi32, #tpu.memory_space<hbm>>) dst(%arg6 : memref<50x128xi32, #tpu.memory_space<vmem>>)
      tpu.yield
    }) : () -> ()
    %run_scoped3A_9 = arith.constant 1 : i32
    "tpu.region"() ({
      %run_scoped3A_71 = tpu.sem_alloc : memref<!tpu.dma_semaphore, #tpu.memory_space<semaphore_mem>>
      %dma_start3A_72 = arith.constant 0 : i32
      %dma_start3A_73 = arith.constant 0 : i32
      %dma_start3A_74 = tpu.memref_slice %arg2[%run_scoped3A_9, %add3A, %dma_start3A_72, %dma_start3A_73] : memref<2x32x50x128xi32, #tpu.memory_space<hbm>> -> memref<1x1x50x128xi32, #tpu.memory_space<hbm>>
      %dma_start3A_75 = tpu.memref_squeeze %dma_start3A_74 : memref<1x1x50x128xi32, #tpu.memory_space<hbm>> -> memref<50x128xi32, #tpu.memory_space<hbm>>
      %dma_start3A_76 = arith.constant 0 : i32
      %dma_start3A_77 = arith.constant 0 : i32
      %dma_start3A_78 = tpu.memref_slice %arg2[%run_scoped3A_9, %add3A, %dma_start3A_76, %dma_start3A_77] : memref<2x32x50x128xi32, #tpu.memory_space<hbm>> -> memref<1x1x50x128xi32, #tpu.memory_space<hbm>>
      %dma_start3A_79 = tpu.memref_squeeze %dma_start3A_78 : memref<1x1x50x128xi32, #tpu.memory_space<hbm>> -> memref<50x128xi32, #tpu.memory_space<hbm>>
      tpu.enqueue_dma source(%dma_start3A_79 : memref<50x128xi32, #tpu.memory_space<hbm>>) target(%arg7 : memref<50x128xi32, #tpu.memory_space<vmem>>) target_semaphore(%run_scoped3A_71 : memref<!tpu.dma_semaphore, #tpu.memory_space<semaphore_mem>>)
      %dma_wait3A_80 = arith.constant 0 : i32
      %dma_wait3A_81 = arith.constant 0 : i32
      %dma_wait3A_82 = tpu.memref_slice %arg2[%run_scoped3A_9, %add3A, %dma_wait3A_80, %dma_wait3A_81] : memref<2x32x50x128xi32, #tpu.memory_space<hbm>> -> memref<1x1x50x128xi32, #tpu.memory_space<hbm>>
      %dma_wait3A_83 = tpu.memref_squeeze %dma_wait3A_82 : memref<1x1x50x128xi32, #tpu.memory_space<hbm>> -> memref<50x128xi32, #tpu.memory_space<hbm>>
      %dma_wait3A_84 = arith.constant 0 : i32
      %dma_wait3A_85 = arith.constant 0 : i32
      %dma_wait3A_86 = tpu.memref_slice %arg2[%run_scoped3A_9, %add3A, %dma_wait3A_84, %dma_wait3A_85] : memref<2x32x50x128xi32, #tpu.memory_space<hbm>> -> memref<1x1x50x128xi32, #tpu.memory_space<hbm>>
      %dma_wait3A_87 = tpu.memref_squeeze %dma_wait3A_86 : memref<1x1x50x128xi32, #tpu.memory_space<hbm>> -> memref<50x128xi32, #tpu.memory_space<hbm>>
      tpu.wait_dma2 semaphore(%run_scoped3A_71 : memref<!tpu.dma_semaphore, #tpu.memory_space<semaphore_mem>>) src(%dma_wait3A_87 : memref<50x128xi32, #tpu.memory_space<hbm>>) dst(%arg7 : memref<50x128xi32, #tpu.memory_space<vmem>>)
      tpu.yield
    }) : () -> ()
    %barrier3A = arith.constant 0 : index
    tpu.barrier barrier_id(%barrier3A)
    %mul3A_10 = arith.constant 6400 : i32
    %mul3A_11 = arith.muli %add3A, %mul3A_10 : i32
    %dma_start3A = arith.constant 0 : i32
    %dma_start3A_12 = arith.constant 0 : i32
    %dma_start3A_13 = tpu.memref_slice %arg6[%dma_start3A, %dma_start3A_12] : memref<50x128xi32, #tpu.memory_space<vmem>> -> memref<1x128xi32, #tpu.memory_space<vmem>>
    %dma_start3A_14 = tpu.memref_squeeze %dma_start3A_13 : memref<1x128xi32, #tpu.memory_space<vmem>> -> memref<128xi32, #tpu.memory_space<vmem>>
    %dma_start3A_15 = arith.constant 0 : i32
    %dma_start3A_16 = arith.constant 0 : i32
    %dma_start3A_17 = tpu.memref_slice %arg13[%dma_start3A_15, %dma_start3A_16] : memref<1000x128xf32, #tpu.memory_space<vmem_shared>> -> memref<1000x128xf32, #tpu.memory_space<vmem_shared>>
    tpu.enqueue_indirect_dma source(%dma_start3A_17 : memref<1000x128xf32, #tpu.memory_space<vmem_shared>>) target(%arg8 : memref<128x128xf32, #tpu.memory_space<vmem>>) offsets(%dma_start3A_14 : memref<128xi32, #tpu.memory_space<vmem>>) semaphore(%arg15 : memref<!tpu.dma_semaphore, #tpu.memory_space<semaphore_mem>>)
    %dma_start3A_18 = arith.constant 1 : i32
    %dma_start3A_19 = arith.constant 0 : i32
    %dma_start3A_20 = tpu.memref_slice %arg6[%dma_start3A_18, %dma_start3A_19] : memref<50x128xi32, #tpu.memory_space<vmem>> -> memref<1x128xi32, #tpu.memory_space<vmem>>
    %dma_start3A_21 = tpu.memref_squeeze %dma_start3A_20 : memref<1x128xi32, #tpu.memory_space<vmem>> -> memref<128xi32, #tpu.memory_space<vmem>>
    %dma_start3A_22 = arith.constant 0 : i32
    %dma_start3A_23 = arith.constant 0 : i32
    %dma_start3A_24 = tpu.memref_slice %arg13[%dma_start3A_22, %dma_start3A_23] : memref<1000x128xf32, #tpu.memory_space<vmem_shared>> -> memref<1000x128xf32, #tpu.memory_space<vmem_shared>>
    tpu.enqueue_indirect_dma source(%dma_start3A_24 : memref<1000x128xf32, #tpu.memory_space<vmem_shared>>) target(%arg9 : memref<128x128xf32, #tpu.memory_space<vmem>>) offsets(%dma_start3A_21 : memref<128xi32, #tpu.memory_space<vmem>>) semaphore(%arg16 : memref<!tpu.dma_semaphore, #tpu.memory_space<semaphore_mem>>)
    %dma_start3A_25 = arith.constant 2 : i32
    %dma_start3A_26 = arith.constant 0 : i32
    %dma_start3A_27 = tpu.memref_slice %arg6[%dma_start3A_25, %dma_start3A_26] : memref<50x128xi32, #tpu.memory_space<vmem>> -> memref<1x128xi32, #tpu.memory_space<vmem>>
    %dma_start3A_28 = tpu.memref_squeeze %dma_start3A_27 : memref<1x128xi32, #tpu.memory_space<vmem>> -> memref<128xi32, #tpu.memory_space<vmem>>
    %dma_start3A_29 = arith.constant 0 : i32
    %dma_start3A_30 = arith.constant 0 : i32
    %dma_start3A_31 = tpu.memref_slice %arg13[%dma_start3A_29, %dma_start3A_30] : memref<1000x128xf32, #tpu.memory_space<vmem_shared>> -> memref<1000x128xf32, #tpu.memory_space<vmem_shared>>
    tpu.enqueue_indirect_dma source(%dma_start3A_31 : memref<1000x128xf32, #tpu.memory_space<vmem_shared>>) target(%arg10 : memref<128x128xf32, #tpu.memory_space<vmem>>) offsets(%dma_start3A_28 : memref<128xi32, #tpu.memory_space<vmem>>) semaphore(%arg17 : memref<!tpu.dma_semaphore, #tpu.memory_space<semaphore_mem>>)
    %dma_start3A_32 = arith.constant 3 : i32
    %dma_start3A_33 = arith.constant 0 : i32
    %dma_start3A_34 = tpu.memref_slice %arg6[%dma_start3A_32, %dma_start3A_33] : memref<50x128xi32, #tpu.memory_space<vmem>> -> memref<1x128xi32, #tpu.memory_space<vmem>>
    %dma_start3A_35 = tpu.memref_squeeze %dma_start3A_34 : memref<1x128xi32, #tpu.memory_space<vmem>> -> memref<128xi32, #tpu.memory_space<vmem>>
    %dma_start3A_36 = arith.constant 0 : i32
    %dma_start3A_37 = arith.constant 0 : i32
    %dma_start3A_38 = tpu.memref_slice %arg13[%dma_start3A_36, %dma_start3A_37] : memref<1000x128xf32, #tpu.memory_space<vmem_shared>> -> memref<1000x128xf32, #tpu.memory_space<vmem_shared>>
    tpu.enqueue_indirect_dma source(%dma_start3A_38 : memref<1000x128xf32, #tpu.memory_space<vmem_shared>>) target(%arg11 : memref<128x128xf32, #tpu.memory_space<vmem>>) offsets(%dma_start3A_35 : memref<128xi32, #tpu.memory_space<vmem>>) semaphore(%arg18 : memref<!tpu.dma_semaphore, #tpu.memory_space<semaphore_mem>>)
    %dma_start3A_39 = arith.constant 4 : i32
    %dma_start3A_40 = arith.constant 0 : i32
    %dma_start3A_41 = tpu.memref_slice %arg6[%dma_start3A_39, %dma_start3A_40] : memref<50x128xi32, #tpu.memory_space<vmem>> -> memref<1x128xi32, #tpu.memory_space<vmem>>
    %dma_start3A_42 = tpu.memref_squeeze %dma_start3A_41 : memref<1x128xi32, #tpu.memory_space<vmem>> -> memref<128xi32, #tpu.memory_space<vmem>>
    %dma_start3A_43 = arith.constant 0 : i32
    %dma_start3A_44 = arith.constant 0 : i32
    %dma_start3A_45 = tpu.memref_slice %arg3[%dma_start3A_43, %dma_start3A_44] : memref<1000x128xf32, #tpu.memory_space<hbm>> -> memref<1000x128xf32, #tpu.memory_space<hbm>>
    tpu.enqueue_indirect_dma source(%dma_start3A_45 : memref<1000x128xf32, #tpu.memory_space<hbm>>) target(%arg12 : memref<128x128xf32, #tpu.memory_space<vmem>>) offsets(%dma_start3A_42 : memref<128xi32, #tpu.memory_space<vmem>>) semaphore(%arg19 : memref<!tpu.dma_semaphore, #tpu.memory_space<semaphore_mem>>)
    %scan3A = arith.constant 0 : i32
    %scan3A_46 = arith.constant 0 : i32
    %scan3A_47 = arith.constant 10 : i32
    %scan3A_48 = arith.addi %scan3A_46, %scan3A_47 : i32
    %scan3A_49 = arith.constant 1 : i32
    %scan3A_50 = scf.for %scan3A_71 = %scan3A_46 to %scan3A_48 step %scan3A_49 iter_args(%scan3A_72 = %scan3A) -> (i32)  : i32 {
      %mul3A_73 = arith.constant 5 : i32
      %mul3A_74 = arith.muli %scan3A_71, %mul3A_73 : i32
      %add3A_75 = arith.constant 0 : i32
      %add3A_76 = arith.addi %mul3A_74, %add3A_75 : i32
      %dma_wait3A_77 = arith.constant 0 : i32
      %dma_wait3A_78 = arith.constant 0 : i32
      %dma_wait3A_79 = tpu.memref_slice %arg6[%dma_wait3A_77, %dma_wait3A_78] : memref<50x128xi32, #tpu.memory_space<vmem>> -> memref<1x128xi32, #tpu.memory_space<vmem>>
      %dma_wait3A_80 = tpu.memref_squeeze %dma_wait3A_79 : memref<1x128xi32, #tpu.memory_space<vmem>> -> memref<128xi32, #tpu.memory_space<vmem>>
      %dma_wait3A_81 = arith.constant 0 : i32
      %dma_wait3A_82 = arith.constant 0 : i32
      %dma_wait3A_83 = tpu.memref_slice %arg13[%dma_wait3A_81, %dma_wait3A_82] : memref<1000x128xf32, #tpu.memory_space<vmem_shared>> -> memref<1000x128xf32, #tpu.memory_space<vmem_shared>>
      tpu.wait_indirect_dma semaphore(%arg15 : memref<!tpu.dma_semaphore, #tpu.memory_space<semaphore_mem>>) src(%dma_wait3A_83 : memref<1000x128xf32, #tpu.memory_space<vmem_shared>>) dst(%arg8 : memref<128x128xf32, #tpu.memory_space<vmem>>)
      %dma_start3A_84 = arith.constant 0 : i32
      %dma_start3A_85 = tpu.memref_slice %arg7[%add3A_76, %dma_start3A_84] : memref<50x128xi32, #tpu.memory_space<vmem>> -> memref<1x128xi32, #tpu.memory_space<vmem>>
      %dma_start3A_86 = tpu.memref_squeeze %dma_start3A_85 : memref<1x128xi32, #tpu.memory_space<vmem>> -> memref<128xi32, #tpu.memory_space<vmem>>
      %dma_start3A_87 = arith.constant 0 : i32
      %dma_start3A_88 = arith.constant 0 : i32
      %dma_start3A_89 = tpu.memref_slice %arg14[%dma_start3A_87, %dma_start3A_88] : memref<1000x128xf32, #tpu.memory_space<vmem_shared>> -> memref<1000x128xf32, #tpu.memory_space<vmem_shared>>
      tpu.enqueue_indirect_dma source(%dma_start3A_89 : memref<1000x128xf32, #tpu.memory_space<vmem_shared>>) target(%arg8 : memref<128x128xf32, #tpu.memory_space<vmem>>) offsets(%dma_start3A_86 : memref<128xi32, #tpu.memory_space<vmem>>) semaphore(%arg15 : memref<!tpu.dma_semaphore, #tpu.memory_space<semaphore_mem>>) {add = true}
      %mul3A_90 = arith.constant 5 : i32
      %mul3A_91 = arith.muli %scan3A_71, %mul3A_90 : i32
      %add3A_92 = arith.constant 1 : i32
      %add3A_93 = arith.addi %mul3A_91, %add3A_92 : i32
      %dma_wait3A_94 = arith.constant 0 : i32
      %dma_wait3A_95 = arith.constant 0 : i32
      %dma_wait3A_96 = tpu.memref_slice %arg6[%dma_wait3A_94, %dma_wait3A_95] : memref<50x128xi32, #tpu.memory_space<vmem>> -> memref<1x128xi32, #tpu.memory_space<vmem>>
      %dma_wait3A_97 = tpu.memref_squeeze %dma_wait3A_96 : memref<1x128xi32, #tpu.memory_space<vmem>> -> memref<128xi32, #tpu.memory_space<vmem>>
      %dma_wait3A_98 = arith.constant 0 : i32
      %dma_wait3A_99 = arith.constant 0 : i32
      %dma_wait3A_100 = tpu.memref_slice %arg13[%dma_wait3A_98, %dma_wait3A_99] : memref<1000x128xf32, #tpu.memory_space<vmem_shared>> -> memref<1000x128xf32, #tpu.memory_space<vmem_shared>>
      tpu.wait_indirect_dma semaphore(%arg16 : memref<!tpu.dma_semaphore, #tpu.memory_space<semaphore_mem>>) src(%dma_wait3A_100 : memref<1000x128xf32, #tpu.memory_space<vmem_shared>>) dst(%arg9 : memref<128x128xf32, #tpu.memory_space<vmem>>)
      %dma_start3A_101 = arith.constant 0 : i32
      %dma_start3A_102 = tpu.memref_slice %arg7[%add3A_93, %dma_start3A_101] : memref<50x128xi32, #tpu.memory_space<vmem>> -> memref<1x128xi32, #tpu.memory_space<vmem>>
      %dma_start3A_103 = tpu.memref_squeeze %dma_start3A_102 : memref<1x128xi32, #tpu.memory_space<vmem>> -> memref<128xi32, #tpu.memory_space<vmem>>
      %dma_start3A_104 = arith.constant 0 : i32
      %dma_start3A_105 = arith.constant 0 : i32
      %dma_start3A_106 = tpu.memref_slice %arg14[%dma_start3A_104, %dma_start3A_105] : memref<1000x128xf32, #tpu.memory_space<vmem_shared>> -> memref<1000x128xf32, #tpu.memory_space<vmem_shared>>
      tpu.enqueue_indirect_dma source(%dma_start3A_106 : memref<1000x128xf32, #tpu.memory_space<vmem_shared>>) target(%arg9 : memref<128x128xf32, #tpu.memory_space<vmem>>) offsets(%dma_start3A_103 : memref<128xi32, #tpu.memory_space<vmem>>) semaphore(%arg16 : memref<!tpu.dma_semaphore, #tpu.memory_space<semaphore_mem>>) {add = true}
      %mul3A_107 = arith.constant 5 : i32
      %mul3A_108 = arith.muli %scan3A_71, %mul3A_107 : i32
      %add3A_109 = arith.constant 2 : i32
      %add3A_110 = arith.addi %mul3A_108, %add3A_109 : i32
      %dma_wait3A_111 = arith.constant 0 : i32
      %dma_wait3A_112 = arith.constant 0 : i32
      %dma_wait3A_113 = tpu.memref_slice %arg6[%dma_wait3A_111, %dma_wait3A_112] : memref<50x128xi32, #tpu.memory_space<vmem>> -> memref<1x128xi32, #tpu.memory_space<vmem>>
      %dma_wait3A_114 = tpu.memref_squeeze %dma_wait3A_113 : memref<1x128xi32, #tpu.memory_space<vmem>> -> memref<128xi32, #tpu.memory_space<vmem>>
      %dma_wait3A_115 = arith.constant 0 : i32
      %dma_wait3A_116 = arith.constant 0 : i32
      %dma_wait3A_117 = tpu.memref_slice %arg13[%dma_wait3A_115, %dma_wait3A_116] : memref<1000x128xf32, #tpu.memory_space<vmem_shared>> -> memref<1000x128xf32, #tpu.memory_space<vmem_shared>>
      tpu.wait_indirect_dma semaphore(%arg17 : memref<!tpu.dma_semaphore, #tpu.memory_space<semaphore_mem>>) src(%dma_wait3A_117 : memref<1000x128xf32, #tpu.memory_space<vmem_shared>>) dst(%arg10 : memref<128x128xf32, #tpu.memory_space<vmem>>)
      %dma_start3A_118 = arith.constant 0 : i32
      %dma_start3A_119 = tpu.memref_slice %arg7[%add3A_110, %dma_start3A_118] : memref<50x128xi32, #tpu.memory_space<vmem>> -> memref<1x128xi32, #tpu.memory_space<vmem>>
      %dma_start3A_120 = tpu.memref_squeeze %dma_start3A_119 : memref<1x128xi32, #tpu.memory_space<vmem>> -> memref<128xi32, #tpu.memory_space<vmem>>
      %dma_start3A_121 = arith.constant 0 : i32
      %dma_start3A_122 = arith.constant 0 : i32
      %dma_start3A_123 = tpu.memref_slice %arg14[%dma_start3A_121, %dma_start3A_122] : memref<1000x128xf32, #tpu.memory_space<vmem_shared>> -> memref<1000x128xf32, #tpu.memory_space<vmem_shared>>
      tpu.enqueue_indirect_dma source(%dma_start3A_123 : memref<1000x128xf32, #tpu.memory_space<vmem_shared>>) target(%arg10 : memref<128x128xf32, #tpu.memory_space<vmem>>) offsets(%dma_start3A_120 : memref<128xi32, #tpu.memory_space<vmem>>) semaphore(%arg17 : memref<!tpu.dma_semaphore, #tpu.memory_space<semaphore_mem>>) {add = true}
      %mul3A_124 = arith.constant 5 : i32
      %mul3A_125 = arith.muli %scan3A_71, %mul3A_124 : i32
      %add3A_126 = arith.constant 3 : i32
      %add3A_127 = arith.addi %mul3A_125, %add3A_126 : i32
      %dma_wait3A_128 = arith.constant 0 : i32
      %dma_wait3A_129 = arith.constant 0 : i32
      %dma_wait3A_130 = tpu.memref_slice %arg6[%dma_wait3A_128, %dma_wait3A_129] : memref<50x128xi32, #tpu.memory_space<vmem>> -> memref<1x128xi32, #tpu.memory_space<vmem>>
      %dma_wait3A_131 = tpu.memref_squeeze %dma_wait3A_130 : memref<1x128xi32, #tpu.memory_space<vmem>> -> memref<128xi32, #tpu.memory_space<vmem>>
      %dma_wait3A_132 = arith.constant 0 : i32
      %dma_wait3A_133 = arith.constant 0 : i32
      %dma_wait3A_134 = tpu.memref_slice %arg13[%dma_wait3A_132, %dma_wait3A_133] : memref<1000x128xf32, #tpu.memory_space<vmem_shared>> -> memref<1000x128xf32, #tpu.memory_space<vmem_shared>>
      tpu.wait_indirect_dma semaphore(%arg18 : memref<!tpu.dma_semaphore, #tpu.memory_space<semaphore_mem>>) src(%dma_wait3A_134 : memref<1000x128xf32, #tpu.memory_space<vmem_shared>>) dst(%arg11 : memref<128x128xf32, #tpu.memory_space<vmem>>)
      %dma_start3A_135 = arith.constant 0 : i32
      %dma_start3A_136 = tpu.memref_slice %arg7[%add3A_127, %dma_start3A_135] : memref<50x128xi32, #tpu.memory_space<vmem>> -> memref<1x128xi32, #tpu.memory_space<vmem>>
      %dma_start3A_137 = tpu.memref_squeeze %dma_start3A_136 : memref<1x128xi32, #tpu.memory_space<vmem>> -> memref<128xi32, #tpu.memory_space<vmem>>
      %dma_start3A_138 = arith.constant 0 : i32
      %dma_start3A_139 = arith.constant 0 : i32
      %dma_start3A_140 = tpu.memref_slice %arg14[%dma_start3A_138, %dma_start3A_139] : memref<1000x128xf32, #tpu.memory_space<vmem_shared>> -> memref<1000x128xf32, #tpu.memory_space<vmem_shared>>
      tpu.enqueue_indirect_dma source(%dma_start3A_140 : memref<1000x128xf32, #tpu.memory_space<vmem_shared>>) target(%arg11 : memref<128x128xf32, #tpu.memory_space<vmem>>) offsets(%dma_start3A_137 : memref<128xi32, #tpu.memory_space<vmem>>) semaphore(%arg18 : memref<!tpu.dma_semaphore, #tpu.memory_space<semaphore_mem>>) {add = true}
      %mul3A_141 = arith.constant 5 : i32
      %mul3A_142 = arith.muli %scan3A_71, %mul3A_141 : i32
      %add3A_143 = arith.constant 4 : i32
      %add3A_144 = arith.addi %mul3A_142, %add3A_143 : i32
      %dma_wait3A_145 = arith.constant 0 : i32
      %dma_wait3A_146 = arith.constant 0 : i32
      %dma_wait3A_147 = tpu.memref_slice %arg6[%dma_wait3A_145, %dma_wait3A_146] : memref<50x128xi32, #tpu.memory_space<vmem>> -> memref<1x128xi32, #tpu.memory_space<vmem>>
      %dma_wait3A_148 = tpu.memref_squeeze %dma_wait3A_147 : memref<1x128xi32, #tpu.memory_space<vmem>> -> memref<128xi32, #tpu.memory_space<vmem>>
      %dma_wait3A_149 = arith.constant 0 : i32
      %dma_wait3A_150 = arith.constant 0 : i32
      %dma_wait3A_151 = tpu.memref_slice %arg13[%dma_wait3A_149, %dma_wait3A_150] : memref<1000x128xf32, #tpu.memory_space<vmem_shared>> -> memref<1000x128xf32, #tpu.memory_space<vmem_shared>>
      tpu.wait_indirect_dma semaphore(%arg19 : memref<!tpu.dma_semaphore, #tpu.memory_space<semaphore_mem>>) src(%dma_wait3A_151 : memref<1000x128xf32, #tpu.memory_space<vmem_shared>>) dst(%arg12 : memref<128x128xf32, #tpu.memory_space<vmem>>)
      %jit3A = arith.constant 2 : i32
      %eq3A = arith.constant 0 : i32
      %eq3A_152 = arith.cmpi eq, %jit3A, %eq3A : i32
      %jit3A_153 = arith.constant 1 : i32
      %select_n3A = arith.select %eq3A_152, %jit3A_153, %jit3A : i32
      %rem3A = arith.remsi %scan3A_71, %select_n3A : i32
      %ne3A = arith.constant 0 : i32
      %ne3A_154 = arith.cmpi ne, %rem3A, %ne3A : i32
      %lt3A_155 = arith.constant 0 : i32
      %lt3A_156 = arith.cmpi slt, %rem3A, %lt3A_155 : i32
      %lt3A_157 = arith.constant 0 : i32
      %lt3A_158 = arith.cmpi slt, %select_n3A, %lt3A_157 : i32
      %ne3A_159 = arith.xori %lt3A_156, %lt3A_158 : i1
      %and3A_160 = arith.andi %ne3A_159, %ne3A_154 : i1
      %add3A_161 = arith.addi %rem3A, %select_n3A : i32
      %select_n3A_162 = arith.select %and3A_160, %add3A_161, %rem3A : i32
      %eq3A_163 = arith.constant 0 : i32
      %eq3A_164 = arith.cmpi eq, %select_n3A_162, %eq3A_163 : i32
      %convert_element_type3A_165 = arith.extui %eq3A_164 : i1 to i32
      %cond3A_166 = arith.constant 0 : i32
      %cond3A_167 = arith.cmpi ne, %convert_element_type3A_165, %cond3A_166 : i32
      scf.if %cond3A_167 {
        %dma_start3A_335 = arith.constant 0 : i32
        %dma_start3A_336 = tpu.memref_slice %arg7[%add3A_144, %dma_start3A_335] : memref<50x128xi32, #tpu.memory_space<vmem>> -> memref<1x128xi32, #tpu.memory_space<vmem>>
        %dma_start3A_337 = tpu.memref_squeeze %dma_start3A_336 : memref<1x128xi32, #tpu.memory_space<vmem>> -> memref<128xi32, #tpu.memory_space<vmem>>
        %dma_start3A_338 = arith.constant 0 : i32
        %dma_start3A_339 = arith.constant 0 : i32
        %dma_start3A_340 = tpu.memref_slice %arg4[%dma_start3A_338, %dma_start3A_339] : memref<1000x128xf32, #tpu.memory_space<hbm>> -> memref<1000x128xf32, #tpu.memory_space<hbm>>
        tpu.enqueue_indirect_dma source(%dma_start3A_340 : memref<1000x128xf32, #tpu.memory_space<hbm>>) target(%arg12 : memref<128x128xf32, #tpu.memory_space<vmem>>) offsets(%dma_start3A_337 : memref<128xi32, #tpu.memory_space<vmem>>) semaphore(%arg19 : memref<!tpu.dma_semaphore, #tpu.memory_space<semaphore_mem>>) {add = true}
      } else {
      }
      %jit3A_168 = arith.constant 2 : i32
      %eq3A_169 = arith.constant 0 : i32
      %eq3A_170 = arith.cmpi eq, %jit3A_168, %eq3A_169 : i32
      %jit3A_171 = arith.constant 1 : i32
      %select_n3A_172 = arith.select %eq3A_170, %jit3A_171, %jit3A_168 : i32
      %rem3A_173 = arith.remsi %scan3A_71, %select_n3A_172 : i32
      %ne3A_174 = arith.constant 0 : i32
      %ne3A_175 = arith.cmpi ne, %rem3A_173, %ne3A_174 : i32
      %lt3A_176 = arith.constant 0 : i32
      %lt3A_177 = arith.cmpi slt, %rem3A_173, %lt3A_176 : i32
      %lt3A_178 = arith.constant 0 : i32
      %lt3A_179 = arith.cmpi slt, %select_n3A_172, %lt3A_178 : i32
      %ne3A_180 = arith.xori %lt3A_177, %lt3A_179 : i1
      %and3A_181 = arith.andi %ne3A_180, %ne3A_175 : i1
      %add3A_182 = arith.addi %rem3A_173, %select_n3A_172 : i32
      %select_n3A_183 = arith.select %and3A_181, %add3A_182, %rem3A_173 : i32
      %ne3A_184 = arith.constant 0 : i32
      %ne3A_185 = arith.cmpi ne, %select_n3A_183, %ne3A_184 : i32
      %convert_element_type3A_186 = arith.extui %ne3A_185 : i1 to i32
      %cond3A_187 = arith.constant 0 : i32
      %cond3A_188 = arith.cmpi ne, %convert_element_type3A_186, %cond3A_187 : i32
      scf.if %cond3A_188 {
        %dma_start3A_335 = arith.constant 0 : i32
        %dma_start3A_336 = tpu.memref_slice %arg7[%add3A_144, %dma_start3A_335] : memref<50x128xi32, #tpu.memory_space<vmem>> -> memref<1x128xi32, #tpu.memory_space<vmem>>
        %dma_start3A_337 = tpu.memref_squeeze %dma_start3A_336 : memref<1x128xi32, #tpu.memory_space<vmem>> -> memref<128xi32, #tpu.memory_space<vmem>>
        %dma_start3A_338 = arith.constant 0 : i32
        %dma_start3A_339 = arith.constant 0 : i32
        %dma_start3A_340 = tpu.memref_slice %arg14[%dma_start3A_338, %dma_start3A_339] : memref<1000x128xf32, #tpu.memory_space<vmem_shared>> -> memref<1000x128xf32, #tpu.memory_space<vmem_shared>>
        tpu.enqueue_indirect_dma source(%dma_start3A_340 : memref<1000x128xf32, #tpu.memory_space<vmem_shared>>) target(%arg12 : memref<128x128xf32, #tpu.memory_space<vmem>>) offsets(%dma_start3A_337 : memref<128xi32, #tpu.memory_space<vmem>>) semaphore(%arg19 : memref<!tpu.dma_semaphore, #tpu.memory_space<semaphore_mem>>) {add = true}
      } else {
      }
      %mul3A_189 = arith.constant 5 : i32
      %mul3A_190 = arith.muli %scan3A_71, %mul3A_189 : i32
      %add3A_191 = arith.constant 0 : i32
      %add3A_192 = arith.addi %mul3A_190, %add3A_191 : i32
      %dma_wait3A_193 = arith.constant 0 : i32
      %dma_wait3A_194 = arith.constant 0 : i32
      %dma_wait3A_195 = tpu.memref_slice %arg6[%dma_wait3A_193, %dma_wait3A_194] : memref<50x128xi32, #tpu.memory_space<vmem>> -> memref<1x128xi32, #tpu.memory_space<vmem>>
      %dma_wait3A_196 = tpu.memref_squeeze %dma_wait3A_195 : memref<1x128xi32, #tpu.memory_space<vmem>> -> memref<128xi32, #tpu.memory_space<vmem>>
      %dma_wait3A_197 = arith.constant 0 : i32
      %dma_wait3A_198 = arith.constant 0 : i32
      %dma_wait3A_199 = tpu.memref_slice %arg13[%dma_wait3A_197, %dma_wait3A_198] : memref<1000x128xf32, #tpu.memory_space<vmem_shared>> -> memref<1000x128xf32, #tpu.memory_space<vmem_shared>>
      tpu.wait_indirect_dma semaphore(%arg15 : memref<!tpu.dma_semaphore, #tpu.memory_space<semaphore_mem>>) src(%dma_wait3A_199 : memref<1000x128xf32, #tpu.memory_space<vmem_shared>>) dst(%arg8 : memref<128x128xf32, #tpu.memory_space<vmem>>)
      %mul3A_200 = arith.constant 128 : i32
      %mul3A_201 = arith.muli %add3A_192, %mul3A_200 : i32
      %add3A_202 = arith.addi %mul3A_11, %mul3A_201 : i32
      %dma_start3A_203 = arith.constant 0 : i32
      %dma_start3A_204 = tpu.memref_slice %arg5[%add3A_202, %dma_start3A_203] : memref<204800x128xf32, #tpu.memory_space<hbm>> -> memref<128x128xf32, #tpu.memory_space<hbm>>
      %dma_start3A_205 = arith.constant 0 : i32
      %dma_start3A_206 = tpu.memref_slice %arg5[%add3A_202, %dma_start3A_205] : memref<204800x128xf32, #tpu.memory_space<hbm>> -> memref<128x128xf32, #tpu.memory_space<hbm>>
      tpu.enqueue_dma source(%arg8 : memref<128x128xf32, #tpu.memory_space<vmem>>) target(%dma_start3A_206 : memref<128x128xf32, #tpu.memory_space<hbm>>) target_semaphore(%arg20 : memref<!tpu.dma_semaphore, #tpu.memory_space<semaphore_mem>>)
      %mul3A_207 = arith.constant 5 : i32
      %mul3A_208 = arith.muli %scan3A_71, %mul3A_207 : i32
      %add3A_209 = arith.constant 1 : i32
      %add3A_210 = arith.addi %mul3A_208, %add3A_209 : i32
      %dma_wait3A_211 = arith.constant 0 : i32
      %dma_wait3A_212 = arith.constant 0 : i32
      %dma_wait3A_213 = tpu.memref_slice %arg6[%dma_wait3A_211, %dma_wait3A_212] : memref<50x128xi32, #tpu.memory_space<vmem>> -> memref<1x128xi32, #tpu.memory_space<vmem>>
      %dma_wait3A_214 = tpu.memref_squeeze %dma_wait3A_213 : memref<1x128xi32, #tpu.memory_space<vmem>> -> memref<128xi32, #tpu.memory_space<vmem>>
      %dma_wait3A_215 = arith.constant 0 : i32
      %dma_wait3A_216 = arith.constant 0 : i32
      %dma_wait3A_217 = tpu.memref_slice %arg13[%dma_wait3A_215, %dma_wait3A_216] : memref<1000x128xf32, #tpu.memory_space<vmem_shared>> -> memref<1000x128xf32, #tpu.memory_space<vmem_shared>>
      tpu.wait_indirect_dma semaphore(%arg16 : memref<!tpu.dma_semaphore, #tpu.memory_space<semaphore_mem>>) src(%dma_wait3A_217 : memref<1000x128xf32, #tpu.memory_space<vmem_shared>>) dst(%arg9 : memref<128x128xf32, #tpu.memory_space<vmem>>)
      %mul3A_218 = arith.constant 128 : i32
      %mul3A_219 = arith.muli %add3A_210, %mul3A_218 : i32
      %add3A_220 = arith.addi %mul3A_11, %mul3A_219 : i32
      %dma_start3A_221 = arith.constant 0 : i32
      %dma_start3A_222 = tpu.memref_slice %arg5[%add3A_220, %dma_start3A_221] : memref<204800x128xf32, #tpu.memory_space<hbm>> -> memref<128x128xf32, #tpu.memory_space<hbm>>
      %dma_start3A_223 = arith.constant 0 : i32
      %dma_start3A_224 = tpu.memref_slice %arg5[%add3A_220, %dma_start3A_223] : memref<204800x128xf32, #tpu.memory_space<hbm>> -> memref<128x128xf32, #tpu.memory_space<hbm>>
      tpu.enqueue_dma source(%arg9 : memref<128x128xf32, #tpu.memory_space<vmem>>) target(%dma_start3A_224 : memref<128x128xf32, #tpu.memory_space<hbm>>) target_semaphore(%arg21 : memref<!tpu.dma_semaphore, #tpu.memory_space<semaphore_mem>>)
      %mul3A_225 = arith.constant 5 : i32
      %mul3A_226 = arith.muli %scan3A_71, %mul3A_225 : i32
      %add3A_227 = arith.constant 2 : i32
      %add3A_228 = arith.addi %mul3A_226, %add3A_227 : i32
      %dma_wait3A_229 = arith.constant 0 : i32
      %dma_wait3A_230 = arith.constant 0 : i32
      %dma_wait3A_231 = tpu.memref_slice %arg6[%dma_wait3A_229, %dma_wait3A_230] : memref<50x128xi32, #tpu.memory_space<vmem>> -> memref<1x128xi32, #tpu.memory_space<vmem>>
      %dma_wait3A_232 = tpu.memref_squeeze %dma_wait3A_231 : memref<1x128xi32, #tpu.memory_space<vmem>> -> memref<128xi32, #tpu.memory_space<vmem>>
      %dma_wait3A_233 = arith.constant 0 : i32
      %dma_wait3A_234 = arith.constant 0 : i32
      %dma_wait3A_235 = tpu.memref_slice %arg13[%dma_wait3A_233, %dma_wait3A_234] : memref<1000x128xf32, #tpu.memory_space<vmem_shared>> -> memref<1000x128xf32, #tpu.memory_space<vmem_shared>>
      tpu.wait_indirect_dma semaphore(%arg17 : memref<!tpu.dma_semaphore, #tpu.memory_space<semaphore_mem>>) src(%dma_wait3A_235 : memref<1000x128xf32, #tpu.memory_space<vmem_shared>>) dst(%arg10 : memref<128x128xf32, #tpu.memory_space<vmem>>)
      %mul3A_236 = arith.constant 128 : i32
      %mul3A_237 = arith.muli %add3A_228, %mul3A_236 : i32
      %add3A_238 = arith.addi %mul3A_11, %mul3A_237 : i32
      %dma_start3A_239 = arith.constant 0 : i32
      %dma_start3A_240 = tpu.memref_slice %arg5[%add3A_238, %dma_start3A_239] : memref<204800x128xf32, #tpu.memory_space<hbm>> -> memref<128x128xf32, #tpu.memory_space<hbm>>
      %dma_start3A_241 = arith.constant 0 : i32
      %dma_start3A_242 = tpu.memref_slice %arg5[%add3A_238, %dma_start3A_241] : memref<204800x128xf32, #tpu.memory_space<hbm>> -> memref<128x128xf32, #tpu.memory_space<hbm>>
      tpu.enqueue_dma source(%arg10 : memref<128x128xf32, #tpu.memory_space<vmem>>) target(%dma_start3A_242 : memref<128x128xf32, #tpu.memory_space<hbm>>) target_semaphore(%arg22 : memref<!tpu.dma_semaphore, #tpu.memory_space<semaphore_mem>>)
      %mul3A_243 = arith.constant 5 : i32
      %mul3A_244 = arith.muli %scan3A_71, %mul3A_243 : i32
      %add3A_245 = arith.constant 3 : i32
      %add3A_246 = arith.addi %mul3A_244, %add3A_245 : i32
      %dma_wait3A_247 = arith.constant 0 : i32
      %dma_wait3A_248 = arith.constant 0 : i32
      %dma_wait3A_249 = tpu.memref_slice %arg6[%dma_wait3A_247, %dma_wait3A_248] : memref<50x128xi32, #tpu.memory_space<vmem>> -> memref<1x128xi32, #tpu.memory_space<vmem>>
      %dma_wait3A_250 = tpu.memref_squeeze %dma_wait3A_249 : memref<1x128xi32, #tpu.memory_space<vmem>> -> memref<128xi32, #tpu.memory_space<vmem>>
      %dma_wait3A_251 = arith.constant 0 : i32
      %dma_wait3A_252 = arith.constant 0 : i32
      %dma_wait3A_253 = tpu.memref_slice %arg13[%dma_wait3A_251, %dma_wait3A_252] : memref<1000x128xf32, #tpu.memory_space<vmem_shared>> -> memref<1000x128xf32, #tpu.memory_space<vmem_shared>>
      tpu.wait_indirect_dma semaphore(%arg18 : memref<!tpu.dma_semaphore, #tpu.memory_space<semaphore_mem>>) src(%dma_wait3A_253 : memref<1000x128xf32, #tpu.memory_space<vmem_shared>>) dst(%arg11 : memref<128x128xf32, #tpu.memory_space<vmem>>)
      %mul3A_254 = arith.constant 128 : i32
      %mul3A_255 = arith.muli %add3A_246, %mul3A_254 : i32
      %add3A_256 = arith.addi %mul3A_11, %mul3A_255 : i32
      %dma_start3A_257 = arith.constant 0 : i32
      %dma_start3A_258 = tpu.memref_slice %arg5[%add3A_256, %dma_start3A_257] : memref<204800x128xf32, #tpu.memory_space<hbm>> -> memref<128x128xf32, #tpu.memory_space<hbm>>
      %dma_start3A_259 = arith.constant 0 : i32
      %dma_start3A_260 = tpu.memref_slice %arg5[%add3A_256, %dma_start3A_259] : memref<204800x128xf32, #tpu.memory_space<hbm>> -> memref<128x128xf32, #tpu.memory_space<hbm>>
      tpu.enqueue_dma source(%arg11 : memref<128x128xf32, #tpu.memory_space<vmem>>) target(%dma_start3A_260 : memref<128x128xf32, #tpu.memory_space<hbm>>) target_semaphore(%arg23 : memref<!tpu.dma_semaphore, #tpu.memory_space<semaphore_mem>>)
      %mul3A_261 = arith.constant 5 : i32
      %mul3A_262 = arith.muli %scan3A_71, %mul3A_261 : i32
      %add3A_263 = arith.constant 4 : i32
      %add3A_264 = arith.addi %mul3A_262, %add3A_263 : i32
      %dma_wait3A_265 = arith.constant 0 : i32
      %dma_wait3A_266 = arith.constant 0 : i32
      %dma_wait3A_267 = tpu.memref_slice %arg6[%dma_wait3A_265, %dma_wait3A_266] : memref<50x128xi32, #tpu.memory_space<vmem>> -> memref<1x128xi32, #tpu.memory_space<vmem>>
      %dma_wait3A_268 = tpu.memref_squeeze %dma_wait3A_267 : memref<1x128xi32, #tpu.memory_space<vmem>> -> memref<128xi32, #tpu.memory_space<vmem>>
      %dma_wait3A_269 = arith.constant 0 : i32
      %dma_wait3A_270 = arith.constant 0 : i32
      %dma_wait3A_271 = tpu.memref_slice %arg13[%dma_wait3A_269, %dma_wait3A_270] : memref<1000x128xf32, #tpu.memory_space<vmem_shared>> -> memref<1000x128xf32, #tpu.memory_space<vmem_shared>>
      tpu.wait_indirect_dma semaphore(%arg19 : memref<!tpu.dma_semaphore, #tpu.memory_space<semaphore_mem>>) src(%dma_wait3A_271 : memref<1000x128xf32, #tpu.memory_space<vmem_shared>>) dst(%arg12 : memref<128x128xf32, #tpu.memory_space<vmem>>)
      %mul3A_272 = arith.constant 128 : i32
      %mul3A_273 = arith.muli %add3A_264, %mul3A_272 : i32
      %add3A_274 = arith.addi %mul3A_11, %mul3A_273 : i32
      %dma_start3A_275 = arith.constant 0 : i32
      %dma_start3A_276 = tpu.memref_slice %arg5[%add3A_274, %dma_start3A_275] : memref<204800x128xf32, #tpu.memory_space<hbm>> -> memref<128x128xf32, #tpu.memory_space<hbm>>
      %dma_start3A_277 = arith.constant 0 : i32
      %dma_start3A_278 = tpu.memref_slice %arg5[%add3A_274, %dma_start3A_277] : memref<204800x128xf32, #tpu.memory_space<hbm>> -> memref<128x128xf32, #tpu.memory_space<hbm>>
      tpu.enqueue_dma source(%arg12 : memref<128x128xf32, #tpu.memory_space<vmem>>) target(%dma_start3A_278 : memref<128x128xf32, #tpu.memory_space<hbm>>) target_semaphore(%arg24 : memref<!tpu.dma_semaphore, #tpu.memory_space<semaphore_mem>>)
      %add3A_279 = arith.constant 1 : i32
      %add3A_280 = arith.addi %scan3A_71, %add3A_279 : i32
      %mul3A_281 = arith.constant 5 : i32
      %mul3A_282 = arith.muli %add3A_280, %mul3A_281 : i32
      %add3A_283 = arith.constant 0 : i32
      %add3A_284 = arith.addi %mul3A_282, %add3A_283 : i32
      %lt3A_285 = arith.constant 50 : i32
      %lt3A_286 = arith.cmpi slt, %add3A_284, %lt3A_285 : i32
      %convert_element_type3A_287 = arith.extui %lt3A_286 : i1 to i32
      %cond3A_288 = arith.constant 0 : i32
      %cond3A_289 = arith.cmpi ne, %convert_element_type3A_287, %cond3A_288 : i32
      scf.if %cond3A_289 {
        %dma_wait3A_335 = arith.constant 0 : i32
        %dma_wait3A_336 = tpu.memref_slice %arg5[%mul3A_11, %dma_wait3A_335] : memref<204800x128xf32, #tpu.memory_space<hbm>> -> memref<128x128xf32, #tpu.memory_space<hbm>>
        %dma_wait3A_337 = arith.constant 0 : i32
        %dma_wait3A_338 = tpu.memref_slice %arg5[%mul3A_11, %dma_wait3A_337] : memref<204800x128xf32, #tpu.memory_space<hbm>> -> memref<128x128xf32, #tpu.memory_space<hbm>>
        tpu.wait_dma2 semaphore(%arg20 : memref<!tpu.dma_semaphore, #tpu.memory_space<semaphore_mem>>) src(%arg8 : memref<128x128xf32, #tpu.memory_space<vmem>>) dst(%dma_wait3A_338 : memref<128x128xf32, #tpu.memory_space<hbm>>)
        %dma_start3A_339 = arith.constant 0 : i32
        %dma_start3A_340 = tpu.memref_slice %arg6[%add3A_284, %dma_start3A_339] : memref<50x128xi32, #tpu.memory_space<vmem>> -> memref<1x128xi32, #tpu.memory_space<vmem>>
        %dma_start3A_341 = tpu.memref_squeeze %dma_start3A_340 : memref<1x128xi32, #tpu.memory_space<vmem>> -> memref<128xi32, #tpu.memory_space<vmem>>
        %dma_start3A_342 = arith.constant 0 : i32
        %dma_start3A_343 = arith.constant 0 : i32
        %dma_start3A_344 = tpu.memref_slice %arg13[%dma_start3A_342, %dma_start3A_343] : memref<1000x128xf32, #tpu.memory_space<vmem_shared>> -> memref<1000x128xf32, #tpu.memory_space<vmem_shared>>
        tpu.enqueue_indirect_dma source(%dma_start3A_344 : memref<1000x128xf32, #tpu.memory_space<vmem_shared>>) target(%arg8 : memref<128x128xf32, #tpu.memory_space<vmem>>) offsets(%dma_start3A_341 : memref<128xi32, #tpu.memory_space<vmem>>) semaphore(%arg15 : memref<!tpu.dma_semaphore, #tpu.memory_space<semaphore_mem>>)
      } else {
      }
      %add3A_290 = arith.constant 1 : i32
      %add3A_291 = arith.addi %scan3A_71, %add3A_290 : i32
      %mul3A_292 = arith.constant 5 : i32
      %mul3A_293 = arith.muli %add3A_291, %mul3A_292 : i32
      %add3A_294 = arith.constant 1 : i32
      %add3A_295 = arith.addi %mul3A_293, %add3A_294 : i32
      %lt3A_296 = arith.constant 50 : i32
      %lt3A_297 = arith.cmpi slt, %add3A_295, %lt3A_296 : i32
      %convert_element_type3A_298 = arith.extui %lt3A_297 : i1 to i32
      %cond3A_299 = arith.constant 0 : i32
      %cond3A_300 = arith.cmpi ne, %convert_element_type3A_298, %cond3A_299 : i32
      scf.if %cond3A_300 {
        %dma_wait3A_335 = arith.constant 0 : i32
        %dma_wait3A_336 = tpu.memref_slice %arg5[%mul3A_11, %dma_wait3A_335] : memref<204800x128xf32, #tpu.memory_space<hbm>> -> memref<128x128xf32, #tpu.memory_space<hbm>>
        %dma_wait3A_337 = arith.constant 0 : i32
        %dma_wait3A_338 = tpu.memref_slice %arg5[%mul3A_11, %dma_wait3A_337] : memref<204800x128xf32, #tpu.memory_space<hbm>> -> memref<128x128xf32, #tpu.memory_space<hbm>>
        tpu.wait_dma2 semaphore(%arg21 : memref<!tpu.dma_semaphore, #tpu.memory_space<semaphore_mem>>) src(%arg9 : memref<128x128xf32, #tpu.memory_space<vmem>>) dst(%dma_wait3A_338 : memref<128x128xf32, #tpu.memory_space<hbm>>)
        %dma_start3A_339 = arith.constant 0 : i32
        %dma_start3A_340 = tpu.memref_slice %arg6[%add3A_295, %dma_start3A_339] : memref<50x128xi32, #tpu.memory_space<vmem>> -> memref<1x128xi32, #tpu.memory_space<vmem>>
        %dma_start3A_341 = tpu.memref_squeeze %dma_start3A_340 : memref<1x128xi32, #tpu.memory_space<vmem>> -> memref<128xi32, #tpu.memory_space<vmem>>
        %dma_start3A_342 = arith.constant 0 : i32
        %dma_start3A_343 = arith.constant 0 : i32
        %dma_start3A_344 = tpu.memref_slice %arg13[%dma_start3A_342, %dma_start3A_343] : memref<1000x128xf32, #tpu.memory_space<vmem_shared>> -> memref<1000x128xf32, #tpu.memory_space<vmem_shared>>
        tpu.enqueue_indirect_dma source(%dma_start3A_344 : memref<1000x128xf32, #tpu.memory_space<vmem_shared>>) target(%arg9 : memref<128x128xf32, #tpu.memory_space<vmem>>) offsets(%dma_start3A_341 : memref<128xi32, #tpu.memory_space<vmem>>) semaphore(%arg16 : memref<!tpu.dma_semaphore, #tpu.memory_space<semaphore_mem>>)
      } else {
      }
      %add3A_301 = arith.constant 1 : i32
      %add3A_302 = arith.addi %scan3A_71, %add3A_301 : i32
      %mul3A_303 = arith.constant 5 : i32
      %mul3A_304 = arith.muli %add3A_302, %mul3A_303 : i32
      %add3A_305 = arith.constant 2 : i32
      %add3A_306 = arith.addi %mul3A_304, %add3A_305 : i32
      %lt3A_307 = arith.constant 50 : i32
      %lt3A_308 = arith.cmpi slt, %add3A_306, %lt3A_307 : i32
      %convert_element_type3A_309 = arith.extui %lt3A_308 : i1 to i32
      %cond3A_310 = arith.constant 0 : i32
      %cond3A_311 = arith.cmpi ne, %convert_element_type3A_309, %cond3A_310 : i32
      scf.if %cond3A_311 {
        %dma_wait3A_335 = arith.constant 0 : i32
        %dma_wait3A_336 = tpu.memref_slice %arg5[%mul3A_11, %dma_wait3A_335] : memref<204800x128xf32, #tpu.memory_space<hbm>> -> memref<128x128xf32, #tpu.memory_space<hbm>>
        %dma_wait3A_337 = arith.constant 0 : i32
        %dma_wait3A_338 = tpu.memref_slice %arg5[%mul3A_11, %dma_wait3A_337] : memref<204800x128xf32, #tpu.memory_space<hbm>> -> memref<128x128xf32, #tpu.memory_space<hbm>>
        tpu.wait_dma2 semaphore(%arg22 : memref<!tpu.dma_semaphore, #tpu.memory_space<semaphore_mem>>) src(%arg10 : memref<128x128xf32, #tpu.memory_space<vmem>>) dst(%dma_wait3A_338 : memref<128x128xf32, #tpu.memory_space<hbm>>)
        %dma_start3A_339 = arith.constant 0 : i32
        %dma_start3A_340 = tpu.memref_slice %arg6[%add3A_306, %dma_start3A_339] : memref<50x128xi32, #tpu.memory_space<vmem>> -> memref<1x128xi32, #tpu.memory_space<vmem>>
        %dma_start3A_341 = tpu.memref_squeeze %dma_start3A_340 : memref<1x128xi32, #tpu.memory_space<vmem>> -> memref<128xi32, #tpu.memory_space<vmem>>
        %dma_start3A_342 = arith.constant 0 : i32
        %dma_start3A_343 = arith.constant 0 : i32
        %dma_start3A_344 = tpu.memref_slice %arg13[%dma_start3A_342, %dma_start3A_343] : memref<1000x128xf32, #tpu.memory_space<vmem_shared>> -> memref<1000x128xf32, #tpu.memory_space<vmem_shared>>
        tpu.enqueue_indirect_dma source(%dma_start3A_344 : memref<1000x128xf32, #tpu.memory_space<vmem_shared>>) target(%arg10 : memref<128x128xf32, #tpu.memory_space<vmem>>) offsets(%dma_start3A_341 : memref<128xi32, #tpu.memory_space<vmem>>) semaphore(%arg17 : memref<!tpu.dma_semaphore, #tpu.memory_space<semaphore_mem>>)
      } else {
      }
      %add3A_312 = arith.constant 1 : i32
      %add3A_313 = arith.addi %scan3A_71, %add3A_312 : i32
      %mul3A_314 = arith.constant 5 : i32
      %mul3A_315 = arith.muli %add3A_313, %mul3A_314 : i32
      %add3A_316 = arith.constant 3 : i32
      %add3A_317 = arith.addi %mul3A_315, %add3A_316 : i32
      %lt3A_318 = arith.constant 50 : i32
      %lt3A_319 = arith.cmpi slt, %add3A_317, %lt3A_318 : i32
      %convert_element_type3A_320 = arith.extui %lt3A_319 : i1 to i32
      %cond3A_321 = arith.constant 0 : i32
      %cond3A_322 = arith.cmpi ne, %convert_element_type3A_320, %cond3A_321 : i32
      scf.if %cond3A_322 {
        %dma_wait3A_335 = arith.constant 0 : i32
        %dma_wait3A_336 = tpu.memref_slice %arg5[%mul3A_11, %dma_wait3A_335] : memref<204800x128xf32, #tpu.memory_space<hbm>> -> memref<128x128xf32, #tpu.memory_space<hbm>>
        %dma_wait3A_337 = arith.constant 0 : i32
        %dma_wait3A_338 = tpu.memref_slice %arg5[%mul3A_11, %dma_wait3A_337] : memref<204800x128xf32, #tpu.memory_space<hbm>> -> memref<128x128xf32, #tpu.memory_space<hbm>>
        tpu.wait_dma2 semaphore(%arg23 : memref<!tpu.dma_semaphore, #tpu.memory_space<semaphore_mem>>) src(%arg11 : memref<128x128xf32, #tpu.memory_space<vmem>>) dst(%dma_wait3A_338 : memref<128x128xf32, #tpu.memory_space<hbm>>)
        %dma_start3A_339 = arith.constant 0 : i32
        %dma_start3A_340 = tpu.memref_slice %arg6[%add3A_317, %dma_start3A_339] : memref<50x128xi32, #tpu.memory_space<vmem>> -> memref<1x128xi32, #tpu.memory_space<vmem>>
        %dma_start3A_341 = tpu.memref_squeeze %dma_start3A_340 : memref<1x128xi32, #tpu.memory_space<vmem>> -> memref<128xi32, #tpu.memory_space<vmem>>
        %dma_start3A_342 = arith.constant 0 : i32
        %dma_start3A_343 = arith.constant 0 : i32
        %dma_start3A_344 = tpu.memref_slice %arg13[%dma_start3A_342, %dma_start3A_343] : memref<1000x128xf32, #tpu.memory_space<vmem_shared>> -> memref<1000x128xf32, #tpu.memory_space<vmem_shared>>
        tpu.enqueue_indirect_dma source(%dma_start3A_344 : memref<1000x128xf32, #tpu.memory_space<vmem_shared>>) target(%arg11 : memref<128x128xf32, #tpu.memory_space<vmem>>) offsets(%dma_start3A_341 : memref<128xi32, #tpu.memory_space<vmem>>) semaphore(%arg18 : memref<!tpu.dma_semaphore, #tpu.memory_space<semaphore_mem>>)
      } else {
      }
      %add3A_323 = arith.constant 1 : i32
      %add3A_324 = arith.addi %scan3A_71, %add3A_323 : i32
      %mul3A_325 = arith.constant 5 : i32
      %mul3A_326 = arith.muli %add3A_324, %mul3A_325 : i32
      %add3A_327 = arith.constant 4 : i32
      %add3A_328 = arith.addi %mul3A_326, %add3A_327 : i32
      %lt3A_329 = arith.constant 50 : i32
      %lt3A_330 = arith.cmpi slt, %add3A_328, %lt3A_329 : i32
      %convert_element_type3A_331 = arith.extui %lt3A_330 : i1 to i32
      %cond3A_332 = arith.constant 0 : i32
      %cond3A_333 = arith.cmpi ne, %convert_element_type3A_331, %cond3A_332 : i32
      scf.if %cond3A_333 {
        %dma_wait3A_335 = arith.constant 0 : i32
        %dma_wait3A_336 = tpu.memref_slice %arg5[%mul3A_11, %dma_wait3A_335] : memref<204800x128xf32, #tpu.memory_space<hbm>> -> memref<128x128xf32, #tpu.memory_space<hbm>>
        %dma_wait3A_337 = arith.constant 0 : i32
        %dma_wait3A_338 = tpu.memref_slice %arg5[%mul3A_11, %dma_wait3A_337] : memref<204800x128xf32, #tpu.memory_space<hbm>> -> memref<128x128xf32, #tpu.memory_space<hbm>>
        tpu.wait_dma2 semaphore(%arg24 : memref<!tpu.dma_semaphore, #tpu.memory_space<semaphore_mem>>) src(%arg12 : memref<128x128xf32, #tpu.memory_space<vmem>>) dst(%dma_wait3A_338 : memref<128x128xf32, #tpu.memory_space<hbm>>)
        %dma_start3A_339 = arith.constant 0 : i32
        %dma_start3A_340 = tpu.memref_slice %arg6[%add3A_328, %dma_start3A_339] : memref<50x128xi32, #tpu.memory_space<vmem>> -> memref<1x128xi32, #tpu.memory_space<vmem>>
        %dma_start3A_341 = tpu.memref_squeeze %dma_start3A_340 : memref<1x128xi32, #tpu.memory_space<vmem>> -> memref<128xi32, #tpu.memory_space<vmem>>
        %dma_start3A_342 = arith.constant 0 : i32
        %dma_start3A_343 = arith.constant 0 : i32
        %dma_start3A_344 = tpu.memref_slice %arg3[%dma_start3A_342, %dma_start3A_343] : memref<1000x128xf32, #tpu.memory_space<hbm>> -> memref<1000x128xf32, #tpu.memory_space<hbm>>
        tpu.enqueue_indirect_dma source(%dma_start3A_344 : memref<1000x128xf32, #tpu.memory_space<hbm>>) target(%arg12 : memref<128x128xf32, #tpu.memory_space<vmem>>) offsets(%dma_start3A_341 : memref<128xi32, #tpu.memory_space<vmem>>) semaphore(%arg19 : memref<!tpu.dma_semaphore, #tpu.memory_space<semaphore_mem>>)
      } else {
      }
      %scan3A_334 = arith.constant 0 : i32
      scf.yield %scan3A_334 : i32
    }
    %scan3A_51 = arith.constant 10 : i32
    %dma_wait3A = arith.constant 0 : i32
    %dma_wait3A_52 = tpu.memref_slice %arg5[%mul3A_11, %dma_wait3A] : memref<204800x128xf32, #tpu.memory_space<hbm>> -> memref<128x128xf32, #tpu.memory_space<hbm>>
    %dma_wait3A_53 = arith.constant 0 : i32
    %dma_wait3A_54 = tpu.memref_slice %arg5[%mul3A_11, %dma_wait3A_53] : memref<204800x128xf32, #tpu.memory_space<hbm>> -> memref<128x128xf32, #tpu.memory_space<hbm>>
    tpu.wait_dma2 semaphore(%arg20 : memref<!tpu.dma_semaphore, #tpu.memory_space<semaphore_mem>>) src(%arg8 : memref<128x128xf32, #tpu.memory_space<vmem>>) dst(%dma_wait3A_54 : memref<128x128xf32, #tpu.memory_space<hbm>>)
    %dma_wait3A_55 = arith.constant 0 : i32
    %dma_wait3A_56 = tpu.memref_slice %arg5[%mul3A_11, %dma_wait3A_55] : memref<204800x128xf32, #tpu.memory_space<hbm>> -> memref<128x128xf32, #tpu.memory_space<hbm>>
    %dma_wait3A_57 = arith.constant 0 : i32
    %dma_wait3A_58 = tpu.memref_slice %arg5[%mul3A_11, %dma_wait3A_57] : memref<204800x128xf32, #tpu.memory_space<hbm>> -> memref<128x128xf32, #tpu.memory_space<hbm>>
    tpu.wait_dma2 semaphore(%arg21 : memref<!tpu.dma_semaphore, #tpu.memory_space<semaphore_mem>>) src(%arg9 : memref<128x128xf32, #tpu.memory_space<vmem>>) dst(%dma_wait3A_58 : memref<128x128xf32, #tpu.memory_space<hbm>>)
    %dma_wait3A_59 = arith.constant 0 : i32
    %dma_wait3A_60 = tpu.memref_slice %arg5[%mul3A_11, %dma_wait3A_59] : memref<204800x128xf32, #tpu.memory_space<hbm>> -> memref<128x128xf32, #tpu.memory_space<hbm>>
    %dma_wait3A_61 = arith.constant 0 : i32
    %dma_wait3A_62 = tpu.memref_slice %arg5[%mul3A_11, %dma_wait3A_61] : memref<204800x128xf32, #tpu.memory_space<hbm>> -> memref<128x128xf32, #tpu.memory_space<hbm>>
    tpu.wait_dma2 semaphore(%arg22 : memref<!tpu.dma_semaphore, #tpu.memory_space<semaphore_mem>>) src(%arg10 : memref<128x128xf32, #tpu.memory_space<vmem>>) dst(%dma_wait3A_62 : memref<128x128xf32, #tpu.memory_space<hbm>>)
    %dma_wait3A_63 = arith.constant 0 : i32
    %dma_wait3A_64 = tpu.memref_slice %arg5[%mul3A_11, %dma_wait3A_63] : memref<204800x128xf32, #tpu.memory_space<hbm>> -> memref<128x128xf32, #tpu.memory_space<hbm>>
    %dma_wait3A_65 = arith.constant 0 : i32
    %dma_wait3A_66 = tpu.memref_slice %arg5[%mul3A_11, %dma_wait3A_65] : memref<204800x128xf32, #tpu.memory_space<hbm>> -> memref<128x128xf32, #tpu.memory_space<hbm>>
    tpu.wait_dma2 semaphore(%arg23 : memref<!tpu.dma_semaphore, #tpu.memory_space<semaphore_mem>>) src(%arg11 : memref<128x128xf32, #tpu.memory_space<vmem>>) dst(%dma_wait3A_66 : memref<128x128xf32, #tpu.memory_space<hbm>>)
    %dma_wait3A_67 = arith.constant 0 : i32
    %dma_wait3A_68 = tpu.memref_slice %arg5[%mul3A_11, %dma_wait3A_67] : memref<204800x128xf32, #tpu.memory_space<hbm>> -> memref<128x128xf32, #tpu.memory_space<hbm>>
    %dma_wait3A_69 = arith.constant 0 : i32
    %dma_wait3A_70 = tpu.memref_slice %arg5[%mul3A_11, %dma_wait3A_69] : memref<204800x128xf32, #tpu.memory_space<hbm>> -> memref<128x128xf32, #tpu.memory_space<hbm>>
    tpu.wait_dma2 semaphore(%arg24 : memref<!tpu.dma_semaphore, #tpu.memory_space<semaphore_mem>>) src(%arg12 : memref<128x128xf32, #tpu.memory_space<vmem>>) dst(%dma_wait3A_70 : memref<128x128xf32, #tpu.memory_space<hbm>>)
    return
  }
}

</mosaic_0001>

<sc_bundles>
// kernel: kernel.3.cloned.1.call-start
scs
__scs_entry_jumppad:
0x0: {  	(pc) =	sbr.rel $0x88, $3  }
0x1: {  	(tag) =	ssettag $0x0;
	lr =	simm.s32 $0x1  }
0x2: {  	[smem:$0x3F9E] =	sst lr;
	_ =	strace $0xD0000000  }
0x3: {  	_ = 	snop  }
0x4: {  	_ = 	snop  }
0x5: {  	_ = 	snop  }
0x6: {  	_ = 	snop  }
0x7: {  	_ = 	snop  }
__scs_overlays_trampoline_lowered:
0x8: {  	[smem:$0x3FAD] =	sst s0  }
0x9: {  	[smem:$0x3FAE] =	sst s1  }
0xa: {  	[smem:$0x3FAF] =	sst s2  }
0xb: {  	[smem:$0x3FB0] =	sst s3  }
0xc: {  	[smem:$0x3FB1] =	sst s4  }
0xd: {  	[smem:$0x3FB2] =	sst s5  }
0xe: {  	[smem:$0x3FB3] =	sst s6  }
0xf: {  	[smem:$0x3FB4] =	sst s7  }
0x10: {  	[smem:$0x3FB5] =	sst s8  }
0x11: {  	[smem:$0x3FB6] =	sst s9;
	s0 =	simm.s32 @!p0 $0x0  }
0x12: {  	s1 =	sld [smem:$0x3F9C];
	s0 =	simm.s32 @p0 $0x1  }
0x13: {  	[smem:$0x3FB7] =	sst s0;
	s0 =	simm.s32 @!p1 $0x0  }
0x14: {  	s2 =	sld [smem:$0x3F9B];
	s0 =	simm.s32 @p1 $0x1  }
0x15: {  	[smem:$0x3FB8] =	sst s0;
	s0 =	simm.s32 @!p2 $0x0  }
0x16: {  	s3 =	sld [smem:$0x3FDB];
	s0 =	simm.s32 @p2 $0x1  }
0x17: {  	s4 =	simm.s32 $0x1BF5;
	[smem:$0x3FBA] =	sst s0  }
0x18: {  	s0 =	sld [smem:$0x3F9D];
	_ =	swait.ge [sflag:s4], $0x0  }
0x19: {  	s7 =	sld [smem:$0x3F9E]  }
0x1a: {  	s8 =	sadd.s32 $0xFFFFE003, lr  }
0x1b: {  	s9 =	sadd.s32 $0xFFFFFEF7, lr;
	s5 =	simm.s32 $0xFFFFFFFF;
	p2 =	slt.u32 s8, $0xFFFFF086  }
0x1c: {  	p1 =	slt.u32 s9, $0xF7A;
	s5 =	simm.s32 @!p2 $0x0  }
0x1d: {  	s5 =	simm.s32 @p1 $0x1;
	p0 =	seq.s32 s7, s2  }
0x1e: {  	s7 =	smul.u32 @!p0 $0xF7A, s2;
	p2 =	seq.s32 @!p0 s5, $0x0  }
0x1f: {  	s9 =	smul.u32 $0xF7A, s1;
	s8 =	simm.s32 @!p0 $0x1BF5;
	p2 =	por !p2, p0  }
0x20: {  	[sflag:s8] =	ssyncset.s32 @!p0 $0xFFFFF086;
	s6 =	sadd.s32 @!p0 s3, s7;
	s7 =	simm.s32 @!p0 $0x108  }
0x21: {  	s3 =	sadd.s32 s3, s9;
	s6 =	sadd.s32 @!p0 $0x88, s6;
	s7 =	simm.s32 @p2 $0x1082  }
0x22: {  	[simem:s7], [sflag:s8] =	dma.local @!p0 [hbm:s6], $0xF7A  }
0x23: {  	s9 =	sor.u32 $0xD0000000, s2;
	s6 =	simm.s32 $0x108;
	_ =	swait.ge @!p0 [sflag:s8], $0x0  }
0x24: {  	s3 =	sadd.s32 $0x88, s3;
	s6 =	simm.s32 @!p1 $0x1082;
	[sflag:s4] =	ssyncset.s32 $0xFFFFF086  }
0x25: {  	[simem:s6], [sflag:s4] =	dma.local [hbm:s3], $0xF7A  }
0x26: {  	[smem:$0x3F9E] =	sst s1;
	(tag) =	ssettag s2;
	_ =	strace s9  }
0x27: {  	s1 =	sld [smem:$0x3FAE]  }
0x28: {  	s2 =	sld [smem:$0x3FAF]  }
0x29: {  	s4 =	sld [smem:$0x3FB1]  }
0x2a: {  	p0 =	seq.s32 s5, $0x0;
	s5 =	sld [smem:$0x3FB2]  }
0x2b: {  	s6 =	sld [smem:$0x3FB3]  }
0x2c: {  	s7 =	sld [smem:$0x3FB4]  }
0x2d: {  	s3 =	simm.s32 $0x108;
	s8 =	sld [smem:$0x3FB5]  }
0x2e: {  	s3 =	simm.s32 @!p0 $0x1082;
	s9 =	sld [smem:$0x3FB6]  }
0x2f: {  	lr =	sadd.s32 s0, s3;
	s0 =	sld [smem:$0x3FAD]  }
0x30: {  	s3 =	sld [smem:$0x3FB0]  }
0x31: {  	[smem:$0x3FB9] =	sst s10  }
0x32: {  	s10 =	sld [smem:$0x3FB7];
	_ =	sdelay $0x3  }
0x33: {  	p0 =	seq.s32 s10, $0x1;
	s10 =	sld [smem:$0x3FB9];
	_ =	sdelay $0x3  }
0x34: {  	[smem:$0x3FB9] =	sst s10  }
0x35: {  	s10 =	sld [smem:$0x3FB8];
	_ =	sdelay $0x3  }
0x36: {  	p1 =	seq.s32 s10, $0x1;
	s10 =	sld [smem:$0x3FB9];
	_ =	sdelay $0x3  }
0x37: {  	[smem:$0x3FB9] =	sst s10  }
0x38: {  	s10 =	sld [smem:$0x3FBA]  }
0x39: {  	_ = 	snop;
	(pc) =	sbr.ind lr, $3  }
0x3a: {  	_ = 	snop  }
0x3b: {  	_ = 	snop  }
0x3c: {  	p2 =	seq.s32 s10, $0x1;
	s10 =	sld [smem:$0x3FB9]  }
0x3d: {  	_ =	shalt  }
0x3e: {  	_ =	shalt  }
0x3f: {  	_ =	shalt  }
0x40: {  	_ =	shalt  }
0x41: {  	_ =	shalt  }
0x42: {  	_ =	shalt  }
0x43: {  	_ =	shalt  }
0x44: {  	_ =	shalt  }
0x45: {  	_ =	shalt  }
0x46: {  	_ =	shalt  }
0x47: {  	_ =	shalt  }
0x48: {  	_ =	shalt  }
0x49: {  	_ =	shalt  }
0x4a: {  	_ =	shalt  }
0x4b: {  	_ =	shalt  }
0x4c: {  	_ =	shalt  }
0x4d: {  	_ =	shalt  }
0x4e: {  	_ =	shalt  }
0x4f: {  	_ =	shalt  }
0x50: {  	_ =	shalt  }
0x51: {  	_ =	shalt  }
0x52: {  	_ =	shalt  }
0x53: {  	_ =	shalt  }
0x54: {  	_ =	shalt  }
0x55: {  	_ =	shalt  }
0x56: {  	_ =	shalt  }
0x57: {  	_ =	shalt  }
0x58: {  	_ =	shalt  }
0x59: {  	_ =	shalt  }
0x5a: {  	_ =	shalt  }
0x5b: {  	_ =	shalt  }
0x5c: {  	_ =	shalt  }
0x5d: {  	_ =	shalt  }
0x5e: {  	_ =	shalt  }
0x5f: {  	_ =	shalt  }
0x60: {  	_ =	shalt  }
0x61: {  	_ =	shalt  }
0x62: {  	_ =	shalt  }
0x63: {  	_ =	shalt  }
0x64: {  	_ =	shalt  }
0x65: {  	_ =	shalt  }
0x66: {  	_ =	shalt  }
0x67: {  	_ =	shalt  }
0x68: {  	_ =	shalt  }
0x69: {  	_ =	shalt  }
0x6a: {  	_ =	shalt  }
0x6b: {  	_ =	shalt  }
0x6c: {  	_ =	shalt  }
0x6d: {  	_ =	shalt  }
0x6e: {  	_ =	shalt  }
0x6f: {  	_ =	shalt  }
0x70: {  	_ =	shalt  }
0x71: {  	_ =	shalt  }
0x72: {  	_ =	shalt  }
0x73: {  	_ =	shalt  }
0x74: {  	_ =	shalt  }
0x75: {  	_ =	shalt  }
0x76: {  	_ =	shalt  }
0x77: {  	_ =	shalt  }
0x78: {  	_ =	shalt  }
0x79: {  	_ =	shalt  }
0x7a: {  	_ =	shalt  }
0x7b: {  	_ =	shalt  }
0x7c: {  	_ =	shalt  }
0x7d: {  	_ =	shalt  }
0x7e: {  	_ =	shalt  }
0x7f: {  	_ =	shalt  }
0x80: {  	_ =	shalt  }
0x81: {  	_ =	shalt  }
0x82: {  	_ =	shalt  }
0x83: {  	_ =	shalt  }
0x84: {  	_ =	shalt  }
0x85: {  	_ =	shalt  }
0x86: {  	_ =	shalt  }
0x87: {  	_ =	shalt  }
.Lfunc_end0:
.L_simem_size_0:
called_computation_lowered:
.L_overlay_start_0:
0x88: {  	s2 =	sld [smem:$0x3FD9]  }
0x89: {  	s3 =	sld [smem:$0x3FFE];
	_ =	sdelay $0x1  }
0x8a: {  	s1 =	srdreg.scid  }
0x8b: {  	s0 =	sand.u32 $0x1, s1  }
0x8c: {  	s17 =	sshll.u32 s0, $0xA;
	s2 =	sadd.s32 s3, s2  }
0x8d: {  	s2 =	sadd.s32 s2, s17  }
0x8e: {  	[smem:$0x3FC5] =	sst s2  }
0x8f: {  	_ = 	snop  }
0x90: {  	s2 =	sld [smem:$0x3FD0];
	(tm) =	ssettm $0x1  }
0x91: {  	s18 =	sld [smem:$0x3FFB];
	_ =	sdelay $0x3  }
0x92: {  	_ =	strace s18  }
0x93: {  	s3 =	sld [smem:$0x3FFC];
	_ =	sdelay $0x3  }
0x94: {  	_ =	strace s3  }
0x95: {  	s3 =	sld [smem:$0x3FFD];
	_ =	sdelay $0x3  }
0x96: {  	_ =	strace s3  }
0x97: {  	_ =	strace $0x8FFFFFFF  }
0x98: {  	s19 =	sld [smem:$0x3FDB];
	_ =	sdelay $0x1  }
0x99: {  	s4 =	simm.s32 $_scs_section_size  }
0x9a: {  	s5 =	simm.s32 $_size__tile_overlayer_lowered;
	s6 =	simm.s32 $_tile_overlayer_lowered  }
0x9b: {  	s22 =	simm.s32 $0x1BFF;
	s21 =	sshll.u32 s6, $0x1;
	s3 =	sadd.s32 s4, s19  }
0x9c: {  	s7 =	simm.s32 $0x0;
	s20 =	sshll.u32 s5, $0x1;
	s5 =	sadd.s32 s21, s3  }
0x9d: {  	[timem:s7], [sflag:s22] =	dma.local [hbm:s5], s20  }
0x9e: {  	_ =	swait.ge [sflag:s22], s20  }
0x9f: {  	s4 =	ssub.s32 $0x0, s20;
	[sflag:s22] =	ssyncset.done $0x0  }
0xa0: {  	[sflag:s22] =	ssyncadd.s32 s4;
	_ =	sdelay $0x1  }
0xa1: {  	s23 =	simm.s32 $0x1B8B  }
0xa2: {  	_ =	swait.ge [sflag:s23], $0x1  }
0xa3: {  	[sflag:s23] =	ssyncset.done $0x0  }
0xa4: {  	s25 =	simm.s32 $0x1B8E;
	s24 =	sld [smem:$0x3FFE];
	[sflag:s23] =	ssyncadd.s32 $0xFFFFFFFF  }
0xa5: {  	s26 =	simm.s32 $execute0_lowered;
	[smem:$0x3FD2] =	sst s25  }
0xa6: {  	s5 =	sshll.u32 s26, $0x1;
	_ =	strace $0x80000046;
	[dreg:$0x1] =	wrdreg $0xFFFFFFFF  }
0xa7: {  	s28 =	simm.s32 $_size_execute0_lowered;
	s3 =	sadd.s32 s3, s5;
	[dreg:$0x0] =	wrdreg $0x0  }
0xa8: {  	s5 =	sshll.u32 s28, $0x1;
	[dreg:$0x2] =	wrdreg s3  }
0xa9: {  	[dreg:$0x3] =	wrdreg s5  }
0xaa: {  	[dreg:$0x4] =	wrdreg $0xC0  }
0xab: {  	_ =	task [dreg:s7], $0x5FFFF  }
0xac: {  	[dreg:$0x1] =	wrdreg $0xFFFFFFFF  }
0xad: {  	[dreg:$0x0] =	wrdreg $0x60  }
0xae: {  	[dreg:$0x2] =	wrdreg s24  }
0xaf: {  	[dreg:$0x3] =	wrdreg s2  }
0xb0: {  	[dreg:$0x4] =	wrdreg $0x178000  }
0xb1: {  	[dreg:$0x5] =	wrdreg $0x197400  }
0xb2: {  	[dreg:$0x6] =	wrdreg $0x9  }
0xb3: {  	_ =	task.clear_ibuf [dreg:s7], $0x7FFFF;
	_ =	strace $0x90000046  }
0xb4: {  	s29 =	simm.s32 $0x9;
	_ =	strace $0x80000048  }
0xb5: {  	_ =	swait.ge [sflag:s29], $0x1  }
0xb6: {  	[sflag:s29] =	ssyncadd.s32 $0xFFFFFFFF  }
0xb7: {  	_ =	strace $0x90000048  }
0xb8: {  	_ =	sfence  }
0xb9: {  	s30 =	sld [smem:$0x0];
	_ =	sdelay $0x2  }
0xba: {  	s31 =	sshll.u32 s1, $0xD;
	s1 =	sshrl.u32 s1, $0x2  }
0xbb: {  	s3 =	sand.u32 $0x4000, s31;
	s1 =	sadd.s32 s1, s30  }
0xbc: {  	s0 =	sor.u32 s3, s0;
	s1 =	sshll.u32 s1, $0x11  }
0xbd: {  	s0 =	sor.u32 s1, s0  }
0xbe: {  	s0 =	sadd.s32 $0x8F2B, s0  }
0xbf: {  	[sflag:s0] =	ssyncadd.remote.s32 $0x1  }
0xc0: {  	_ =	sfence.sel $0xFFFF  }
0xc1: {  	[dreg:$0x0] =	wrdreg $0xFFFFFFFF;
	(pc) =	sbr.abs _section_cstart, $3  }
0xc2: {  	[dreg:$0x1] =	wrdreg $0xFFFFFFFF  }
0xc3: {  	_ =	task.clear_ibuf [dreg:s7], $0x2FFFF;
	_ =	strace $0x9FFFFFFF  }
0xc4: {  	(tm) =	ssettm $0x7FFFFFFF  }
0xc5: {  	_ =	shalt  }
tec
execute0_lowered:
.L_overlay_start_1:
0x0: {  	(tag) =	ssettag $0x1  }
0x1: {  	s1 =	rddreg [dreg:$0x0]  }
0x2: {  	s0 =	srdreg.scid;
	s3 =	rddreg [dreg:$0x2]  }
0x3: {  	s15 =	stileid.u32;
	s4 =	rddreg [dreg:$0x3]  }
0x4: {  	s5 =	simm.s32 $0x0;
	s18 =	simm.s32 $0x80;
	s19 =	simm.s32 $0x3800  }
0x5: {  	s20 =	simm.s32 $0x7800;
	s28 =	simm.s32 $0x1;
	s29 =	simm.s32 $0x2  }
0x6: {  	s30 =	simm.s32 $0x3;
	s31 =	simm.s32 $0x4;
	s7 =	smul.u32 $0xC8, s15  }
0x7: {  	s17 =	simm.s32 $0x8;
	s0 =	sand.u32 $0x1, s0;
	s23 =	smul.u32 $0x19000, s15  }
0x8: {  	[smem:$0x7FF] =	sst s5;
	s6 =	sadd.s32 $0x600, s1;
	s25 =	smul.u32 $0xC80, s15  }
0x9: {  	p0 =	slt.u32 s15, $0x5;
	s14 =	smul.u32 $0xC8000, s15;
	s2 =	sshll.u32 s0, $0x4  }
0xa: {  	_ =	strace $0x80000047;
	s8 =	ssub.s32 $0x2, s0;
	s13 =	smul.u32 $0xC80000, s0  }
0xb: {  	s0 =	smul.u32 $0x190000, s0;
	s2 =	sor.u32 s15, s2;
	s9 =	sshrl.u32 s8, $0x1  }
0xc: {  	s10 =	sadd.s32 $0xFFFFFC18, s7;
	s7 =	sadd.s32 $0x4600, s1;
	s12 =	sshrl.u32 s23, $0x2  }
0xd: {  	s2 =	smul.u32 $0x1C00, s2;
	s21 =	ssub.s32 s8, s9;
	s22 =	sshll.u32 s10, $0x7  }
0xe: {  	s24 =	sshll.u32 s10, $0x4;
	s12 =	sadd.s32 s12, s3;
	s10 =	sadd.s32 s6, s25  }
0xf: {  	s26 =	sadd.s32 s14, s13;
	s25 =	simm.s32 $0x0;
	s8 =	sand.u32 $0x3FFFFC00, s22  }
0x10: {  	s22 =	simm.s32 $0xB800;
	s2 =	sshrl.u32 s2, $0x3;
	s11 =	sadd.s32 s8, s4  }
0x11: {  	s8 =	sadd.s32 s7, s24;
	s24 =	simm.s32 $0xF800;
	s2 =	sadd.s32 s2, s1  }
0x12: {  	s1 =	smax.u32 s21, $0x1;
	s11 =	smov.u32 @p0 s12;
	s8 =	smov.u32 @p0 s10  }
0x13: {  	p0 =	sgt.u32 s15, $0x9;
	s12 =	sadd.s32 s23, s0;
	s21 =	simm.s32 $0x9  }
0x14: {  	s23 =	simm.s32 $0xA;
	s16 =	sadd.s32 $0x8600, s2;
	[dreg:$0x8] =	wrdreg s1  }
0x15: {  	s2 =	sadd.s32 $0xF600, s2;
	[dreg:$0x5] =	wrdreg s8;
	s1 =	sadd.s32 $0x10000, s26  }
0x16: {  	s0 =	sshll.u32 @!p0 s15, $0x6;
	s26 =	simm.s32 $0x13800;
	[dreg:$0x6] =	wrdreg s16  }
0x17: {  	[dreg:$0x7] =	wrdreg s2;
	s13 =	sshrl.u32 s1, $0x3;
	s0 =	sor.u32 @!p0 $0x1C0B, s0  }
0x18: {  	s16 =	simm.s32 $0xB;
	[dreg:$0x9] =	wrdreg s0;
	s0 =	sshrl.u32 @!p0 s11, $0x3  }
0x19: {  	s2 =	simm.s32 $0x5;
	s1 =	simm.s32 $0x7;
	[dreg:$0xa] =	wrdreg s0  }
.LBB2_1:
0x1a: {  	s0 =	rddreg [dreg:$0x5]  }
0x1b: {  	s8 =	rddreg [dreg:$0x9]  }
0x1c: {  	s9 =	rddreg [dreg:$0xa]  }
0x1d: {  	[spmem:s9], [sflag:s8] =	dma.local @!p0 [hbm:s0], $0xC80  }
0x1e: {  	s9 =	simm.s32 @!p0 $0xB  }
0x1f: {  	_ =	swait.ge @!p0 [sflag:s9], $0xC80  }
0x20: {  	[sflag:s9] =	ssyncset.done @!p0 $0x0  }
0x21: {  	s8 =	rddreg [dreg:$0x6];
	[sflag:s9] =	ssyncadd.s32 @!p0 $0xFFFFF380  }
0x22: {  	[tilespmem:s5], [sflag:$0xB] =	stream.linear.gather [hbm4b:s8+s5], $0x1900, $0x38;
	[tilespmem:$0x1B680] =	vst v63  }
0x23: {  	_ =	swait.ge [sflag:s16], $0x1900  }
0x24: {  	[sflag:s16] =	ssyncset.done $0x0  }
0x25: {  	s10 =	simm.s32 $0x1C00;
	s9 =	rddreg [dreg:$0x7];
	[sflag:s16] =	ssyncadd.s32 $0xFFFFE700  }
0x26: {  	[tilespmem:s10], [sflag:$0xB] =	stream.linear.gather [hbm4b:s9+s5], $0x1900, $0x38;
	[tilespmem:$0x1B680] =	vst v63  }
0x27: {  	_ =	swait.ge [sflag:s16], $0x1900  }
0x28: {  	[sflag:s16] =	ssyncset.done $0x0  }
0x29: {  	[sflag:s16] =	ssyncadd.s32 $0xFFFFE700  }
0x2a: {  	[bflag:$0x0] =	sbarrier.arrive $0xFFFF  }
0x2b: {  	[tilespmem:s19], [sflag:$0x1] =	stream.indirect.gather [spmem:s3], $0x80, s5, s18, $0xb8;
	[tilespmem:$0x1B680] =	vst v63  }
0x2c: {  	_ = 	snop  }
0x2d: {  	[tilespmem:s20], [sflag:$0x2] =	stream.indirect.gather [spmem:s3], $0x80, s18, s18, $0xb8;
	[tilespmem:$0x1B680] =	vst v63  }
0x2e: {  	s11 =	simm.s32 $0x100  }
0x2f: {  	[tilespmem:s22], [sflag:$0x3] =	stream.indirect.gather [spmem:s3], $0x80, s11, s18, $0xb8;
	[tilespmem:$0x1B680] =	vst v63  }
0x30: {  	s14 =	simm.s32 $0x180;
	s15 =	simm.s32 $0x200  }
0x31: {  	[tilespmem:s24], [sflag:$0x4] =	stream.indirect.gather [spmem:s3], $0x80, s14, s18, $0xb8;
	[tilespmem:$0x1B680] =	vst v63  }
0x32: {  	s10 =	simm.s32 $0x0;
	s9 =	rddreg [dreg:$0x1];
	s11 =	simm.s32 $0x0  }
0x33: {  	[tilespmem:s26], [sflag:$0x5] =	stream.indirect.gather [hbm4b:s6+s18], $0x80, s15, s18, $0xb8;
	[tilespmem:$0x1B680] =	vst v63  }
.LBB2_2:
0x34: {  	_ =	swait.ge [sflag:s28], $0x4000  }
0x35: {  	s8 =	sshra.s32 s10, $0x2;
	[sflag:s28] =	ssyncset.done $0x0  }
0x36: {  	s14 =	sadd.s32 $0x1C00, s8;
	[sflag:s28] =	ssyncadd.s32 $0xFFFFC000  }
0x37: {  	[tilespmem:s19], [sflag:$0x1] =	stream.indirect.gather.add.f32 [spmem:s4], $0x80, s14, s18, $0xb8;
	[tilespmem:$0x1B680] =	vst v63  }
0x38: {  	_ =	swait.ge [sflag:s29], $0x4000  }
0x39: {  	[sflag:s29] =	ssyncset.done $0x0  }
0x3a: {  	s15 =	sadd.s32 $0x1C80, s8;
	[sflag:s29] =	ssyncadd.s32 $0xFFFFC000  }
0x3b: {  	[tilespmem:s20], [sflag:$0x2] =	stream.indirect.gather.add.f32 [spmem:s4], $0x80, s15, s18, $0xb8;
	[tilespmem:$0x1B680] =	vst v63  }
0x3c: {  	_ =	swait.ge [sflag:s30], $0x4000  }
0x3d: {  	[sflag:s30] =	ssyncset.done $0x0  }
0x3e: {  	s0 =	sadd.s32 $0x1D00, s8;
	[sflag:s30] =	ssyncadd.s32 $0xFFFFC000  }
0x3f: {  	[tilespmem:s22], [sflag:$0x3] =	stream.indirect.gather.add.f32 [spmem:s4], $0x80, s0, s18, $0xb8;
	[tilespmem:$0x1B680] =	vst v63  }
0x40: {  	_ =	swait.ge [sflag:s31], $0x4000  }
0x41: {  	[sflag:s31] =	ssyncset.done $0x0  }
0x42: {  	s15 =	sadd.s32 $0x1D80, s8;
	[sflag:s31] =	ssyncadd.s32 $0xFFFFC000  }
0x43: {  	[tilespmem:s24], [sflag:$0x4] =	stream.indirect.gather.add.f32 [spmem:s4], $0x80, s15, s18, $0xb8;
	[tilespmem:$0x1B680] =	vst v63  }
0x44: {  	s0 =	sand.u32 $0x1, s11;
	_ =	swait.ge [sflag:s2], $0x4000  }
0x45: {  	s8 =	sadd.s32 $0x1E00, s8;
	p1 =	seq.s32 s0, $0x1;
	[sflag:s2] =	ssyncset.done $0x0  }
0x46: {  	s14 =	simm.s32 @p1 $0x80;
	s15 =	simm.s32 @p1 $0x13800;
	[sflag:s2] =	ssyncadd.s32 $0xFFFFC000  }
0x47: {  	[tilespmem:s15], [sflag:$0x5] =	stream.indirect.gather.add.f32 @p1 [spmem:s4], $0x80, s8, s14, $0xb8;
	[tilespmem:$0x1B680] =	vst v63  }
0x48: {  	s14 =	simm.s32 @!p1 $0x80;
	s15 =	simm.s32 @!p1 $0x13800  }
0x49: {  	[tilespmem:s15], [sflag:$0x5] =	stream.indirect.gather.add.f32 @!p1 [hbm:s7], $0x80, s8, s14, $0xb8;
	[tilespmem:$0x1B680] =	vst v63  }
0x4a: {  	_ =	swait.ge [sflag:s28], $0x4000  }
0x4b: {  	[sflag:s28] =	ssyncset.done $0x0  }
0x4c: {  	s8 =	sadd.s32 s9, s12;
	[sflag:s28] =	ssyncadd.s32 $0xFFFFC000  }
0x4d: {  	[hbm4b:s8+s5] =	stream.linear.scatter [tilespmem:s19], [sflag:$0x6], $0x4000, $0x38;
	[tilespmem:$0x1B680] =	vst v63  }
0x4e: {  	_ =	swait.ge [sflag:s29], $0x4000  }
0x4f: {  	[sflag:s29] =	ssyncset.done $0x0  }
0x50: {  	s15 =	sadd.s32 $0x800, s8;
	[sflag:s29] =	ssyncadd.s32 $0xFFFFC000  }
0x51: {  	[hbm4b:s15+s5] =	stream.linear.scatter [tilespmem:s20], [sflag:$0x7], $0x4000, $0x38;
	[tilespmem:$0x1B680] =	vst v63  }
0x52: {  	_ =	swait.ge [sflag:s30], $0x4000  }
0x53: {  	[sflag:s30] =	ssyncset.done $0x0  }
0x54: {  	s0 =	sadd.s32 $0x1000, s8;
	[sflag:s30] =	ssyncadd.s32 $0xFFFFC000  }
0x55: {  	[hbm4b:s0+s5] =	stream.linear.scatter [tilespmem:s22], [sflag:$0x8], $0x4000, $0x38;
	[tilespmem:$0x1B680] =	vst v63  }
0x56: {  	_ =	swait.ge [sflag:s31], $0x4000  }
0x57: {  	[sflag:s31] =	ssyncset.done $0x0  }
0x58: {  	s8 =	sadd.s32 $0x1800, s8;
	[sflag:s31] =	ssyncadd.s32 $0xFFFFC000  }
0x59: {  	[hbm4b:s8+s5] =	stream.linear.scatter [tilespmem:s24], [sflag:$0x9], $0x4000, $0x38;
	[tilespmem:$0x1B680] =	vst v63  }
0x5a: {  	_ =	swait.ge [sflag:s2], $0x4000  }
0x5b: {  	p1 =	seq.s32 s10, $0x5A00;
	[sflag:s2] =	ssyncset.done $0x0  }
0x5c: {  	s15 =	sadd.s32 s9, s13;
	s8 =	simm.s32 @!p1 $0x6;
	[sflag:s2] =	ssyncadd.s32 $0xFFFFC000  }
0x5d: {  	[hbm4b:s15+s5] =	stream.linear.scatter [tilespmem:s26], [sflag:$0xA], $0x4000, $0x38;
	[tilespmem:$0x1B680] =	vst v63  }
0x5e: {  	_ =	swait.ge @!p1 [sflag:s8], $0x4000  }
0x5f: {  	[sflag:s8] =	ssyncset.done @!p1 $0x0  }
0x60: {  	[sflag:s8] =	ssyncadd.s32 @!p1 $0xFFFFC000;
	s8 =	sshra.s32 @!p1 s10, $0x2  }
0x61: {  	s0 =	simm.s32 @!p1 $0x3800;
	s15 =	simm.s32 @!p1 $0x80;
	s14 =	sadd.s32 @!p1 $0x280, s8  }
0x62: {  	[tilespmem:s0], [sflag:$0x1] =	stream.indirect.gather @!p1 [spmem:s3], $0x80, s14, s15, $0xb8;
	[tilespmem:$0x1B680] =	vst v63  }
0x63: {  	s0 =	simm.s32 @!p1 $0x7  }
0x64: {  	_ =	swait.ge @!p1 [sflag:s0], $0x4000  }
0x65: {  	[sflag:s0] =	ssyncset.done @!p1 $0x0  }
0x66: {  	s14 =	simm.s32 @!p1 $0x7800;
	[sflag:s0] =	ssyncadd.s32 @!p1 $0xFFFFC000;
	s0 =	sadd.s32 @!p1 $0x300, s8  }
0x67: {  	[tilespmem:s14], [sflag:$0x2] =	stream.indirect.gather @!p1 [spmem:s3], $0x80, s0, s15, $0xb8;
	[tilespmem:$0x1B680] =	vst v63  }
0x68: {  	s0 =	simm.s32 @!p1 $0x8  }
0x69: {  	_ =	swait.ge @!p1 [sflag:s0], $0x4000  }
0x6a: {  	[sflag:s0] =	ssyncset.done @!p1 $0x0  }
0x6b: {  	s14 =	simm.s32 @!p1 $0xB800;
	[sflag:s0] =	ssyncadd.s32 @!p1 $0xFFFFC000;
	s0 =	sadd.s32 @!p1 $0x380, s8  }
0x6c: {  	[tilespmem:s14], [sflag:$0x3] =	stream.indirect.gather @!p1 [spmem:s3], $0x80, s0, s15, $0xb8;
	[tilespmem:$0x1B680] =	vst v63  }
0x6d: {  	s10 =	sadd.s32 @!p1 $0xA00, s10;
	s0 =	simm.s32 @!p1 $0x9  }
0x6e: {  	p2 =	sne.s32 @!p1 s10, $0x6400;
	_ =	swait.ge @!p1 [sflag:s0], $0x4000  }
0x6f: {  	p2 =	por p1, !p2;
	[sflag:s0] =	ssyncset.done @!p1 $0x0  }
0x70: {  	s14 =	simm.s32 @!p1 $0xF800;
	[sflag:s0] =	ssyncadd.s32 @!p1 $0xFFFFC000;
	s0 =	sadd.s32 @!p1 $0x400, s8  }
0x71: {  	[tilespmem:s14], [sflag:$0x4] =	stream.indirect.gather @!p1 [spmem:s3], $0x80, s0, s15, $0xb8;
	[tilespmem:$0x1B680] =	vst v63  }
.Ltmp0:
0x72: {  	s0 =	simm.s32 @!p1 $0xA;
	(pc) =	sbr.rel @!p2 .LBB2_2-.Ltmp0, $4  }
0x73: {  	_ =	swait.ge @!p1 [sflag:s0], $0x4000  }
0x74: {  	s11 =	sadd.s32 @!p1 $0x1, s11;
	s9 =	sadd.s32 @!p1 $0x2800, s9;
	[sflag:s0] =	ssyncset.done @!p1 $0x0  }
0x75: {  	[sflag:s0] =	ssyncadd.s32 @!p1 $0xFFFFC000;
	s0 =	sadd.s32 @!p1 $0x480, s8;
	s8 =	simm.s32 @!p1 $0x13800  }
0x76: {  	[tilespmem:s8], [sflag:$0x5] =	stream.indirect.gather @!p1 [hbm4b:s6+s15], $0x80, s0, s15, $0xb8;
	[tilespmem:$0x1B680] =	vst v63  }
0x77: {  	s0 =	simm.s32 $0x6  }
0x78: {  	_ =	swait.ge [sflag:s0], $0x4000  }
0x79: {  	[sflag:s0] =	ssyncset.done $0x0  }
0x7a: {  	[sflag:s0] =	ssyncadd.s32 $0xFFFFC000  }
0x7b: {  	_ =	swait.ge [sflag:s1], $0x4000  }
0x7c: {  	[sflag:s1] =	ssyncset.done $0x0  }
0x7d: {  	[sflag:s1] =	ssyncadd.s32 $0xFFFFC000  }
0x7e: {  	_ =	swait.ge [sflag:s17], $0x4000  }
0x7f: {  	[sflag:s17] =	ssyncset.done $0x0  }
0x80: {  	[sflag:s17] =	ssyncadd.s32 $0xFFFFC000  }
0x81: {  	_ =	swait.ge [sflag:s21], $0x4000  }
0x82: {  	[sflag:s21] =	ssyncset.done $0x0  }
0x83: {  	[sflag:s21] =	ssyncadd.s32 $0xFFFFC000  }
0x84: {  	_ =	swait.ge [sflag:s23], $0x4000  }
0x85: {  	s25 =	sadd.s32 $0x1, s25;
	s15 =	rddreg [dreg:$0x8]  }
0x86: {  	p1 =	sne.s32 s25, s15  }
.Ltmp1:
0x87: {  	_ = 	snop;
	(pc) =	sbr.rel @p1 .LBB2_1-.Ltmp1, $3  }
0x88: {  	_ =	sdelay $0x1  }
0x89: {  	[sflag:s23] =	ssyncset.done $0x0  }
0x8a: {  	[sflag:s23] =	ssyncadd.s32 $0xFFFFC000  }
0x8b: {  	_ =	sfence.sel $0x180000  }
0x8c: {  	[bflag:$0x0] =	sbarrier.arrive $0xFFFF  }
0x8d: {  	_ =	strace $0x90000047  }
0x8e: {  	s0 =	stileid.u32;
	[bflag:$0x2] =	sbarrier.arrive $0xFFFF  }
0x8f: {  	p0 =	sne.s32 s0, $0x0;
	s0 =	rddreg [dreg:$0x4]  }
0x90: {  	s0 =	sadd.s32 @!p0 $0x100000, s0  }
0x91: {  	[sflag:s0] =	ssyncadd.tile.s32 @!p0 $0x1;
	_ =	shalt  }
.Lfunc_end2:
_tile_overlayer_lowered:
.L_overlay_start_2:
0x92: {  	(tag) =	ssettag $0x2  }
0x93: {  	s0 =	rddreg [dreg:$0x0];
	s2 =	stileid.u32  }
0x94: {  	s1 =	rddreg [dreg:$0x1];
	p0 =	sne.s32 s2, $0x0  }
0x95: {  	s3 =	rddreg [dreg:$0x2];
	[bflag:$0x3] =	sbarrier.arrive $0xFFFF;
	s2 =	simm.s32 @!p0 $0x1C0B  }
0x96: {  	[timem:s3], [sflag:s2] =	dma.local @!p0 [hbm:s0], s1  }
0x97: {  	s0 =	simm.s32 @!p0 $0xB  }
0x98: {  	_ =	swait.ge @!p0 [sflag:s0], s1  }
0x99: {  	s1 =	ssub.s32 @!p0 $0x0, s1;
	[sflag:s0] =	ssyncset.done @!p0 $0x0  }
0x9a: {  	[sflag:s0] =	ssyncadd.s32 @!p0 s1  }
0x9b: {  	[bflag:$0x3] =	sbarrier.arrive $0xFFFF  }
0x9c: {  	_ =	shalt  }

</sc_bundles>
